<compile_context>
chip_gen: v7x
topology: tpu7x:2x2x1
jax: 0.10.2.dev20260603
libtpu: 0.0.44.dev20260713+nightly
codegen_flags: <defaults>
</compile_context>

<pallas_src>
import functools

import jax
import jax.numpy as jnp
import numpy as np
from jax import lax
from jax.experimental import pallas as pl
from jax.experimental.pallas import tpu as pltpu
from jax.experimental.pallas import tpu_sc as plsc

W_IMG = 512
H_IMG = 512
N_BOXES = 512
MNT = 63
MNT_STRIDE = 64
N_TILES = 32
ROWS_PER_TILE = W_IMG // N_TILES
L = 16
TDIM = 128
NF = 16

_A = np.arange(TDIM, dtype=np.int64)
_D = np.maximum(_A, 1)[:, None]
_CTABLE = np.where(_A[None, :] < _D, (_A[None, :] * MNT) // _D, MNT)
_CTABLE = _CTABLE.astype(np.int32).reshape(TDIM * TDIM)


def _render_body(boxes_hbm, mnt_hbm, ctab_hbm, out_hbm,
                 boxes_v, mnt_v, ctab_v, fields_v, canvas, sem):
    cid = lax.axis_index("c")
    sid = lax.axis_index("s")
    t = sid * 2 + cid

    c1 = pltpu.async_copy(boxes_hbm, boxes_v, sem)
    c2 = pltpu.async_copy(mnt_hbm, mnt_v, sem)
    c3 = pltpu.async_copy(ctab_hbm, ctab_v, sem)

    lanes = lax.iota(jnp.int32, L)
    lanes32 = lanes * N_TILES

    def coord_body(k, carry):
        fb = (k * L + lanes) * 4
        cx = plsc.load_gather(boxes_v, [fb])
        cy = plsc.load_gather(boxes_v, [fb + 1])
        bw = plsc.load_gather(boxes_v, [fb + 2])
        bh = plsc.load_gather(boxes_v, [fb + 3])
        x1 = ((cx - 0.5 * bw) * float(W_IMG)).astype(jnp.int32)
        y1 = ((cy - 0.5 * bh) * float(W_IMG)).astype(jnp.int32)
        x2 = ((cx + 0.5 * bw) * float(W_IMG)).astype(jnp.int32)
        y2 = ((cy + 0.5 * bh) * float(W_IMG)).astype(jnp.int32)
        w = x2 - x1
        h = y2 - y1
        wb = jnp.minimum(jnp.maximum(w, 1), TDIM - 1) << 7
        hb = jnp.minimum(jnp.maximum(h, 1), TDIM - 1) << 7
        dx0 = (t - x1) & (N_TILES - 1)
        rl0 = (x1 + dx0 - t) >> 5
        nc2 = (h + 2 * L - 1) >> 5
        off0 = (rl0 << 9) + y1
        off1 = (jnp.minimum(rl0 + 1, ROWS_PER_TILE) << 9) + y1
        off2 = (jnp.minimum(rl0 + 2, ROWS_PER_TILE) << 9) + y1
        off3 = (jnp.minimum(rl0 + 3, ROWS_PER_TILE) << 9) + y1
        fo = (k * L + lanes) * NF
        plsc.store_scatter(fields_v, [fo], wb + dx0)
        plsc.store_scatter(fields_v, [fo + 1], wb + TDIM - 1)
        plsc.store_scatter(fields_v, [fo + 2], hb)
        plsc.store_scatter(fields_v, [fo + 3], nc2)
        plsc.store_scatter(fields_v, [fo + 4], off0)
        plsc.store_scatter(fields_v, [fo + 5], off1)
        plsc.store_scatter(fields_v, [fo + 6], off2)
        plsc.store_scatter(fields_v, [fo + 7], off3)
        plsc.store_scatter(fields_v, [fo + 8], w - dx0)
        return carry

    def zero_body(k, carry):
        for u in range(4):
            canvas[pl.ds((k * 4 + u) * L, L)] = jnp.zeros((L,), jnp.float32)
        return carry

    lax.fori_loop(0, ((ROWS_PER_TILE + 1) * H_IMG) // (4 * L), zero_body, 0)

    c1.wait()
    c2.wait()
    c3.wait()

    lax.fori_loop(0, N_BOXES // L, coord_body, 0)
    plsc.store_scatter(fields_v, [N_BOXES * NF + lanes],
                       jnp.zeros((L,), jnp.int32))

    def box_body(b, carry):
        fvec, rvec = carry
        nvec = plsc.load_gather(fields_v, [(b + 1) * NF + lanes])
        hb = fvec[2]
        nc2 = fvec[3]
        off0 = fvec[4]
        off1 = fvec[5]
        off2 = fvec[6]
        off3 = fvec[7]
        nfl = fvec[8]
        rb0 = rvec[0]
        rb1 = rvec[1]

        @plsc.parallel_loop(0, nc2, unroll=2)
        def col01(jj):
            base = hb + jj * (2 * L)
            cc0 = ctab_v[pl.ds(base, L)]
            cc1 = ctab_v[pl.ds(base + L, L)]
            for rb, off in ((rb0, off0), (rb1, off1)):
                v0 = plsc.load_gather(mnt_v, [rb + cc0])
                v1 = plsc.load_gather(mnt_v, [rb + cc1])
                s0 = pl.ds(off + jj * (2 * L), L)
                s1 = pl.ds(off + jj * (2 * L) + L, L)
                canvas[s0] = jnp.maximum(canvas[s0], v0)
                canvas[s1] = jnp.maximum(canvas[s1], v1)

        @pl.when(nfl > 2 * N_TILES)
        def _rows23():
            rb2 = rvec[2]
            rb3 = rvec[3]

            @plsc.parallel_loop(0, nc2, unroll=2)
            def col23(jj):
                base = hb + jj * (2 * L)
                cc0 = ctab_v[pl.ds(base, L)]
                cc1 = ctab_v[pl.ds(base + L, L)]
                for rb, off in ((rb2, off2), (rb3, off3)):
                    v0 = plsc.load_gather(mnt_v, [rb + cc0])
                    v1 = plsc.load_gather(mnt_v, [rb + cc1])
                    s0 = pl.ds(off + jj * (2 * L), L)
                    s1 = pl.ds(off + jj * (2 * L) + L, L)
                    canvas[s0] = jnp.maximum(canvas[s0], v0)
                    canvas[s1] = jnp.maximum(canvas[s1], v1)

        nridx = jnp.minimum(nvec[0] + lanes32, nvec[1])
        nrvec = plsc.load_gather(ctab_v, [nridx]) << 6
        return (nvec, nrvec)

    fvec0 = plsc.load_gather(fields_v, [lanes])
    ridx0 = jnp.minimum(fvec0[0] + lanes32, fvec0[1])
    rvec0 = plsc.load_gather(ctab_v, [ridx0]) << 6
    lax.fori_loop(0, N_BOXES, box_body, (fvec0, rvec0))

    copies = []
    for k in range(ROWS_PER_TILE):
        dst_off = pl.multiple_of((t + N_TILES * k) * H_IMG, 512)
        copies.append(pltpu.async_copy(
            canvas.at[pl.ds(k * H_IMG, H_IMG)],
            out_hbm.at[pl.ds(dst_off, H_IMG)], sem))
    for c in copies:
        c.wait()


@jax.jit
def _render(boxes_flat, mnt_flat):
    mesh = plsc.VectorSubcoreMesh(core_axis_name="c", subcore_axis_name="s")
    f = functools.partial(
        pl.kernel,
        mesh=mesh,
        compiler_params=pltpu.CompilerParams(needs_layout_passes=False),
        out_type=jax.ShapeDtypeStruct((W_IMG * H_IMG,), jnp.float32),
        scratch_types=[
            pltpu.VMEM((N_BOXES * 4,), jnp.float32),
            pltpu.VMEM((MNT_STRIDE * MNT_STRIDE,), jnp.float32),
            pltpu.VMEM((TDIM * TDIM,), jnp.int32),
            pltpu.VMEM(((N_BOXES + 1) * NF + L,), jnp.int32),
            pltpu.VMEM(((ROWS_PER_TILE + 1) * H_IMG,), jnp.float32),
            pltpu.SemaphoreType.DMA,
        ],
    )(_render_body)
    return f(boxes_flat, mnt_flat, jnp.asarray(_CTABLE))


def kernel(boxes, mount):
    mnt2d = mount[0, 0]
    mnt_flat = jnp.pad(mnt2d, ((0, MNT_STRIDE - MNT), (0, MNT_STRIDE - MNT)))
    mnt_flat = mnt_flat.reshape(MNT_STRIDE * MNT_STRIDE)
    boxes_flat = boxes.reshape(N_BOXES * 4)
    out = _render(boxes_flat, mnt_flat)
    return out.reshape(1, 1, W_IMG, H_IMG)

# --- scband reference (transcript-rebuilt; emitter-appended) ---
"""Pipeline reference for scband-soft-heat-map-31808527794314 (READ-ONLY COPY).

The authoritative reference and input builder live on the scoring server;
editing this copy changes nothing except your own understanding.
"""

import jax, jax.numpy as jnp
import numpy as np

W_IMG = 512
H_IMG = 512
N_BOXES = 512


def _gaussian_2d(shape, sigma=1.0):
    m, n = int((shape[0] - 1.0) / 2.0), int((shape[1] - 1.0) / 2.0)
    y, x = np.ogrid[-m:m + 1, -n:n + 1]
    h = np.exp(-(x * x + y * y) / (2.0 * sigma * sigma))
    h[h < np.finfo(h.dtype).eps * h.max()] = 0
    return h


def setup_inputs(seed: int = 0) -> dict:
    key = jax.random.key(seed)
    k1, k2 = jax.random.split(key)
    # raw uniform fills, then mapped into a valid cxcywh range so that
    # xyxy stays inside [0, 1] and every box has size >= ~25 px after scaling
    u_c = jax.random.uniform(k1, (N_BOXES, 2), dtype=jnp.float32)
    u_s = jax.random.uniform(k2, (N_BOXES, 2), dtype=jnp.float32)
    centers = 0.25 + 0.5 * u_c          # cx, cy in [0.25, 0.75)
    sizes = 0.05 + 0.15 * u_s           # w, h in [0.05, 0.20)
    boxes = jnp.concatenate([centers, sizes], axis=1).astype(jnp.float32)
    # module buffer: gaussian mount (note: gaussian_2d((64,64)) -> 63x63)
    mnt = _gaussian_2d((64, 64), sigma=7)
    mount = jnp.asarray(mnt, dtype=jnp.float32).reshape(1, 1, mnt.shape[0], mnt.shape[1])
    return {"boxes": boxes, "mount": mount}


def _nearest_resize(mount, w, h):
    # torch F.interpolate default mode='nearest': src = floor(dst * in/out)
    in_h, in_w = mount.shape[2], mount.shape[3]
    r = (np.arange(w) * in_h) // w
    c = (np.arange(h) * in_w) // h
    return mount[:, :, r, :][:, :, :, c]


def reference(boxes, mount):
    img = jnp.zeros((1, 1, W_IMG, H_IMG), dtype=jnp.float32)
    b = boxes.shape[0]
    if b == 0:
        return img
    cx, cy, bw, bh = boxes[:, 0], boxes[:, 1], boxes[:, 2], boxes[:, 3]
    xyxy = jnp.stack([cx - 0.5 * bw, cy - 0.5 * bh, cx + 0.5 * bw, cy + 0.5 * bh], axis=1)
    # faithful to original (bug preserved): BOTH axes scaled by self.w
    xyxy = xyxy * W_IMG
    xyxy = xyxy.astype(jnp.int32)  # .long() truncation (values are positive)
    sizes = xyxy[:, 2:4] - xyxy[:, 0:2]
    in_h, in_w = mount.shape[2], mount.shape[3]
    mnt2d = mount[0, 0]
    px = jnp.arange(W_IMG, dtype=jnp.int32)[:, None]
    py = jnp.arange(H_IMG, dtype=jnp.int32)[None, :]

    def body(im, row):
        x, y, w, h = row[0], row[1], row[2], row[3]
        ws = jnp.maximum(w, 1)
        hs = jnp.maximum(h, 1)
        r = ((px - x) * in_h) // ws
        c = ((py - y) * in_w) // hs
        mask = (px >= x) & (px < x + w) & (py >= y) & (py < y + h)
        r = jnp.clip(r, 0, in_h - 1)
        c = jnp.clip(c, 0, in_w - 1)
        val = mnt2d[r, c]
        im = jnp.where(mask, jnp.maximum(im, val), im)
        return im, None

    rows = jnp.concatenate([xyxy[:, 0:2], sizes], axis=1)
    img2d, _ = jax.lax.scan(body, img[0, 0], rows)
    return img2d[None, None, :, :]

if __name__ == "__main__":
    import jax
    _d = setup_inputs()
    print(jax.jit(kernel)(*tuple(_d.values())))

</pallas_src>

<mosaic_0001>
#map = affine_map<(d0, d1) -> (0)>
module attributes {stable_mosaic.version = 14 : i64} {
  func.func @_render_body(%arg0: i32, %arg1: i32, %arg2: memref<2048xf32, #tpu.memory_space<hbm>>, %arg3: memref<4096xf32, #tpu.memory_space<hbm>>, %arg4: memref<16384xi32, #tpu.memory_space<hbm>>, %arg5: memref<262144xf32, #tpu.memory_space<hbm>>, %arg6: memref<2048xf32, #tpu.memory_space<vmem>>, %arg7: memref<4096xf32, #tpu.memory_space<vmem>>, %arg8: memref<16384xi32, #tpu.memory_space<vmem>>, %arg9: memref<8224xi32, #tpu.memory_space<vmem>>, %arg10: memref<8704xf32, #tpu.memory_space<vmem>>, %arg11: memref<!tpu.dma_semaphore, #tpu.memory_space<semaphore_mem>>) attributes {dimension_semantics = [#tpu.dimension_semantics<core_parallel>, #tpu.dimension_semantics<subcore_parallel>], iteration_bounds = array<i64: 2, 16>, scalar_prefetch = 0 : i64, scratch_operands = 6 : i64, tpu.core_type = #tpu.core_type<sc_vector_subcore>, window_params = [{transform_indices = #map}, {transform_indices = #map}, {transform_indices = #map}, {transform_indices = #map}]} {
    %mul3A = arith.constant 2 : i32
    %mul3A_0 = arith.muli %arg1, %mul3A : i32
    %add3A = arith.addi %mul3A_0, %arg0 : i32
    tpu.enqueue_dma source(%arg2 : memref<2048xf32, #tpu.memory_space<hbm>>) target(%arg6 : memref<2048xf32, #tpu.memory_space<vmem>>) target_semaphore(%arg11 : memref<!tpu.dma_semaphore, #tpu.memory_space<semaphore_mem>>)
    tpu.enqueue_dma source(%arg3 : memref<4096xf32, #tpu.memory_space<hbm>>) target(%arg7 : memref<4096xf32, #tpu.memory_space<vmem>>) target_semaphore(%arg11 : memref<!tpu.dma_semaphore, #tpu.memory_space<semaphore_mem>>)
    tpu.enqueue_dma source(%arg4 : memref<16384xi32, #tpu.memory_space<hbm>>) target(%arg8 : memref<16384xi32, #tpu.memory_space<vmem>>) target_semaphore(%arg11 : memref<!tpu.dma_semaphore, #tpu.memory_space<semaphore_mem>>)
    %iota3A = tpu.iota {dimensions = array<i32: 0>} : vector<16xi32>
    %mul3A_1 = arith.constant 32 : i32
    %mul3A_2 = vector.broadcast %mul3A_1 : i32 to vector<16xi32>
    %mul3A_3 = arith.muli %iota3A, %mul3A_2 : vector<16xi32>
    %scan3A = arith.constant 0 : i32
    %scan3A_4 = arith.constant 0 : i32
    %scan3A_5 = arith.constant 136 : i32
    %scan3A_6 = arith.addi %scan3A_4, %scan3A_5 : i32
    %scan3A_7 = arith.constant 1 : i32
    scf.for %scan3A_302 = %scan3A_4 to %scan3A_6 step %scan3A_7  : i32 {
      %broadcast_in_dim3A_303 = arith.constant 0.000000e+00 : f32
      %broadcast_in_dim3A_304 = vector.broadcast %broadcast_in_dim3A_303 : f32 to vector<16xf32>
      %mul3A_305 = arith.constant 4 : i32
      %mul3A_306 = arith.muli %scan3A_302, %mul3A_305 : i32
      %add3A_307 = arith.constant 0 : i32
      %add3A_308 = arith.addi %mul3A_306, %add3A_307 : i32
      %mul3A_309 = arith.constant 16 : i32
      %mul3A_310 = arith.muli %add3A_308, %mul3A_309 : i32
      %swap3A = arith.index_cast %mul3A_310 : i32 to index
      %swap3A_311 = tpu.vector_load %arg10[%swap3A] {strides = array<i32>} : memref<8704xf32, #tpu.memory_space<vmem>>, vector<16xf32>,
      tpu.vector_store %arg10[%swap3A], %broadcast_in_dim3A_304 {strides = array<i32>} : memref<8704xf32, #tpu.memory_space<vmem>>, vector<16xf32>,
      %broadcast_in_dim3A_312 = arith.constant 0.000000e+00 : f32
      %broadcast_in_dim3A_313 = vector.broadcast %broadcast_in_dim3A_312 : f32 to vector<16xf32>
      %mul3A_314 = arith.constant 4 : i32
      %mul3A_315 = arith.muli %scan3A_302, %mul3A_314 : i32
      %add3A_316 = arith.constant 1 : i32
      %add3A_317 = arith.addi %mul3A_315, %add3A_316 : i32
      %mul3A_318 = arith.constant 16 : i32
      %mul3A_319 = arith.muli %add3A_317, %mul3A_318 : i32
      %swap3A_320 = arith.index_cast %mul3A_319 : i32 to index
      %swap3A_321 = tpu.vector_load %arg10[%swap3A_320] {strides = array<i32>} : memref<8704xf32, #tpu.memory_space<vmem>>, vector<16xf32>,
      tpu.vector_store %arg10[%swap3A_320], %broadcast_in_dim3A_313 {strides = array<i32>} : memref<8704xf32, #tpu.memory_space<vmem>>, vector<16xf32>,
      %broadcast_in_dim3A_322 = arith.constant 0.000000e+00 : f32
      %broadcast_in_dim3A_323 = vector.broadcast %broadcast_in_dim3A_322 : f32 to vector<16xf32>
      %mul3A_324 = arith.constant 4 : i32
      %mul3A_325 = arith.muli %scan3A_302, %mul3A_324 : i32
      %add3A_326 = arith.constant 2 : i32
      %add3A_327 = arith.addi %mul3A_325, %add3A_326 : i32
      %mul3A_328 = arith.constant 16 : i32
      %mul3A_329 = arith.muli %add3A_327, %mul3A_328 : i32
      %swap3A_330 = arith.index_cast %mul3A_329 : i32 to index
      %swap3A_331 = tpu.vector_load %arg10[%swap3A_330] {strides = array<i32>} : memref<8704xf32, #tpu.memory_space<vmem>>, vector<16xf32>,
      tpu.vector_store %arg10[%swap3A_330], %broadcast_in_dim3A_323 {strides = array<i32>} : memref<8704xf32, #tpu.memory_space<vmem>>, vector<16xf32>,
      %broadcast_in_dim3A_332 = arith.constant 0.000000e+00 : f32
      %broadcast_in_dim3A_333 = vector.broadcast %broadcast_in_dim3A_332 : f32 to vector<16xf32>
      %mul3A_334 = arith.constant 4 : i32
      %mul3A_335 = arith.muli %scan3A_302, %mul3A_334 : i32
      %add3A_336 = arith.constant 3 : i32
      %add3A_337 = arith.addi %mul3A_335, %add3A_336 : i32
      %mul3A_338 = arith.constant 16 : i32
      %mul3A_339 = arith.muli %add3A_337, %mul3A_338 : i32
      %swap3A_340 = arith.index_cast %mul3A_339 : i32 to index
      %swap3A_341 = tpu.vector_load %arg10[%swap3A_340] {strides = array<i32>} : memref<8704xf32, #tpu.memory_space<vmem>>, vector<16xf32>,
      tpu.vector_store %arg10[%swap3A_340], %broadcast_in_dim3A_333 {strides = array<i32>} : memref<8704xf32, #tpu.memory_space<vmem>>, vector<16xf32>,
    }
    %scan3A_8 = arith.constant 136 : i32
    tpu.wait_dma2 semaphore(%arg11 : memref<!tpu.dma_semaphore, #tpu.memory_space<semaphore_mem>>) src(%arg2 : memref<2048xf32, #tpu.memory_space<hbm>>) dst(%arg6 : memref<2048xf32, #tpu.memory_space<vmem>>)
    tpu.wait_dma2 semaphore(%arg11 : memref<!tpu.dma_semaphore, #tpu.memory_space<semaphore_mem>>) src(%arg3 : memref<4096xf32, #tpu.memory_space<hbm>>) dst(%arg7 : memref<4096xf32, #tpu.memory_space<vmem>>)
    tpu.wait_dma2 semaphore(%arg11 : memref<!tpu.dma_semaphore, #tpu.memory_space<semaphore_mem>>) src(%arg4 : memref<16384xi32, #tpu.memory_space<hbm>>) dst(%arg8 : memref<16384xi32, #tpu.memory_space<vmem>>)
    %scan3A_9 = arith.constant 0 : i32
    %scan3A_10 = arith.constant 0 : i32
    %scan3A_11 = arith.constant 32 : i32
    %scan3A_12 = arith.addi %scan3A_10, %scan3A_11 : i32
    %scan3A_13 = arith.constant 1 : i32
    scf.for %scan3A_302 = %scan3A_10 to %scan3A_12 step %scan3A_13  : i32 {
      %mul3A_303 = arith.constant 16 : i32
      %mul3A_304 = arith.muli %scan3A_302, %mul3A_303 : i32
      %add3A_305 = vector.broadcast %mul3A_304 : i32 to vector<16xi32>
      %add3A_306 = arith.addi %add3A_305, %iota3A : vector<16xi32>
      %mul3A_307 = arith.constant 4 : i32
      %mul3A_308 = vector.broadcast %mul3A_307 : i32 to vector<16xi32>
      %mul3A_309 = arith.muli %add3A_306, %mul3A_308 : vector<16xi32>
      %gather3A_310 = tpu.vector_load_idx %arg6[%mul3A_309] : memref<2048xf32, #tpu.memory_space<vmem>>[vector<16xi32>], vector<16xf32>,
      %add3A_311 = arith.constant 1 : i32
      %add3A_312 = vector.broadcast %add3A_311 : i32 to vector<16xi32>
      %add3A_313 = arith.addi %mul3A_309, %add3A_312 : vector<16xi32>
      %gather3A_314 = tpu.vector_load_idx %arg6[%add3A_313] : memref<2048xf32, #tpu.memory_space<vmem>>[vector<16xi32>], vector<16xf32>,
      %add3A_315 = arith.constant 2 : i32
      %add3A_316 = vector.broadcast %add3A_315 : i32 to vector<16xi32>
      %add3A_317 = arith.addi %mul3A_309, %add3A_316 : vector<16xi32>
      %gather3A_318 = tpu.vector_load_idx %arg6[%add3A_317] : memref<2048xf32, #tpu.memory_space<vmem>>[vector<16xi32>], vector<16xf32>,
      %add3A_319 = arith.constant 3 : i32
      %add3A_320 = vector.broadcast %add3A_319 : i32 to vector<16xi32>
      %add3A_321 = arith.addi %mul3A_309, %add3A_320 : vector<16xi32>
      %gather3A_322 = tpu.vector_load_idx %arg6[%add3A_321] : memref<2048xf32, #tpu.memory_space<vmem>>[vector<16xi32>], vector<16xf32>,
      %mul3A_323 = arith.constant 5.000000e-01 : f32
      %mul3A_324 = vector.broadcast %mul3A_323 : f32 to vector<16xf32>
      %mul3A_325 = arith.mulf %mul3A_324, %gather3A_318 : vector<16xf32>
      %sub3A = arith.subf %gather3A_310, %mul3A_325 : vector<16xf32>
      %mul3A_326 = arith.constant 5.120000e+02 : f32
      %mul3A_327 = vector.broadcast %mul3A_326 : f32 to vector<16xf32>
      %mul3A_328 = arith.mulf %sub3A, %mul3A_327 : vector<16xf32>
      %convert_element_type3A = arith.fptosi %mul3A_328 : vector<16xf32> to vector<16xi32>
      %mul3A_329 = arith.constant 5.000000e-01 : f32
      %mul3A_330 = vector.broadcast %mul3A_329 : f32 to vector<16xf32>
      %mul3A_331 = arith.mulf %mul3A_330, %gather3A_322 : vector<16xf32>
      %sub3A_332 = arith.subf %gather3A_314, %mul3A_331 : vector<16xf32>
      %mul3A_333 = arith.constant 5.120000e+02 : f32
      %mul3A_334 = vector.broadcast %mul3A_333 : f32 to vector<16xf32>
      %mul3A_335 = arith.mulf %sub3A_332, %mul3A_334 : vector<16xf32>
      %convert_element_type3A_336 = arith.fptosi %mul3A_335 : vector<16xf32> to vector<16xi32>
      %mul3A_337 = arith.constant 5.000000e-01 : f32
      %mul3A_338 = vector.broadcast %mul3A_337 : f32 to vector<16xf32>
      %mul3A_339 = arith.mulf %mul3A_338, %gather3A_318 : vector<16xf32>
      %add3A_340 = arith.addf %gather3A_310, %mul3A_339 : vector<16xf32>
      %mul3A_341 = arith.constant 5.120000e+02 : f32
      %mul3A_342 = vector.broadcast %mul3A_341 : f32 to vector<16xf32>
      %mul3A_343 = arith.mulf %add3A_340, %mul3A_342 : vector<16xf32>
      %convert_element_type3A_344 = arith.fptosi %mul3A_343 : vector<16xf32> to vector<16xi32>
      %mul3A_345 = arith.constant 5.000000e-01 : f32
      %mul3A_346 = vector.broadcast %mul3A_345 : f32 to vector<16xf32>
      %mul3A_347 = arith.mulf %mul3A_346, %gather3A_322 : vector<16xf32>
      %add3A_348 = arith.addf %gather3A_314, %mul3A_347 : vector<16xf32>
      %mul3A_349 = arith.constant 5.120000e+02 : f32
      %mul3A_350 = vector.broadcast %mul3A_349 : f32 to vector<16xf32>
      %mul3A_351 = arith.mulf %add3A_348, %mul3A_350 : vector<16xf32>
      %convert_element_type3A_352 = arith.fptosi %mul3A_351 : vector<16xf32> to vector<16xi32>
      %sub3A_353 = arith.subi %convert_element_type3A_344, %convert_element_type3A : vector<16xi32>
      %sub3A_354 = arith.subi %convert_element_type3A_352, %convert_element_type3A_336 : vector<16xi32>
      %max3A = arith.constant 1 : i32
      %max3A_355 = vector.broadcast %max3A : i32 to vector<16xi32>
      %max3A_356 = arith.maxsi %sub3A_353, %max3A_355 : vector<16xi32>
      %min3A_357 = arith.constant 127 : i32
      %min3A_358 = vector.broadcast %min3A_357 : i32 to vector<16xi32>
      %min3A_359 = arith.minsi %max3A_356, %min3A_358 : vector<16xi32>
      %shift_left3A_360 = arith.constant 7 : i32
      %shift_left3A_361 = vector.broadcast %shift_left3A_360 : i32 to vector<16xi32>
      %shift_left3A_362 = arith.shli %min3A_359, %shift_left3A_361 : vector<16xi32>
      %max3A_363 = arith.constant 1 : i32
      %max3A_364 = vector.broadcast %max3A_363 : i32 to vector<16xi32>
      %max3A_365 = arith.maxsi %sub3A_354, %max3A_364 : vector<16xi32>
      %min3A_366 = arith.constant 127 : i32
      %min3A_367 = vector.broadcast %min3A_366 : i32 to vector<16xi32>
      %min3A_368 = arith.minsi %max3A_365, %min3A_367 : vector<16xi32>
      %shift_left3A_369 = arith.constant 7 : i32
      %shift_left3A_370 = vector.broadcast %shift_left3A_369 : i32 to vector<16xi32>
      %shift_left3A_371 = arith.shli %min3A_368, %shift_left3A_370 : vector<16xi32>
      %sub3A_372 = vector.broadcast %add3A : i32 to vector<16xi32>
      %sub3A_373 = arith.subi %sub3A_372, %convert_element_type3A : vector<16xi32>
      %and3A = arith.constant 31 : i32
      %and3A_374 = vector.broadcast %and3A : i32 to vector<16xi32>
      %and3A_375 = arith.andi %sub3A_373, %and3A_374 : vector<16xi32>
      %add3A_376 = arith.addi %convert_element_type3A, %and3A_375 : vector<16xi32>
      %sub3A_377 = vector.broadcast %add3A : i32 to vector<16xi32>
      %sub3A_378 = arith.subi %add3A_376, %sub3A_377 : vector<16xi32>
      %shift_right_arithmetic3A = arith.constant 5 : i32
      %shift_right_arithmetic3A_379 = vector.broadcast %shift_right_arithmetic3A : i32 to vector<16xi32>
      %shift_right_arithmetic3A_380 = arith.shrsi %sub3A_378, %shift_right_arithmetic3A_379 : vector<16xi32>
      %add3A_381 = arith.constant 32 : i32
      %add3A_382 = vector.broadcast %add3A_381 : i32 to vector<16xi32>
      %add3A_383 = arith.addi %sub3A_354, %add3A_382 : vector<16xi32>
      %sub3A_384 = arith.constant 1 : i32
      %sub3A_385 = vector.broadcast %sub3A_384 : i32 to vector<16xi32>
      %sub3A_386 = arith.subi %add3A_383, %sub3A_385 : vector<16xi32>
      %shift_right_arithmetic3A_387 = arith.constant 5 : i32
      %shift_right_arithmetic3A_388 = vector.broadcast %shift_right_arithmetic3A_387 : i32 to vector<16xi32>
      %shift_right_arithmetic3A_389 = arith.shrsi %sub3A_386, %shift_right_arithmetic3A_388 : vector<16xi32>
      %shift_left3A_390 = arith.constant 9 : i32
      %shift_left3A_391 = vector.broadcast %shift_left3A_390 : i32 to vector<16xi32>
      %shift_left3A_392 = arith.shli %shift_right_arithmetic3A_380, %shift_left3A_391 : vector<16xi32>
      %add3A_393 = arith.addi %shift_left3A_392, %convert_element_type3A_336 : vector<16xi32>
      %add3A_394 = arith.constant 1 : i32
      %add3A_395 = vector.broadcast %add3A_394 : i32 to vector<16xi32>
      %add3A_396 = arith.addi %shift_right_arithmetic3A_380, %add3A_395 : vector<16xi32>
      %min3A_397 = arith.constant 16 : i32
      %min3A_398 = vector.broadcast %min3A_397 : i32 to vector<16xi32>
      %min3A_399 = arith.minsi %add3A_396, %min3A_398 : vector<16xi32>
      %shift_left3A_400 = arith.constant 9 : i32
      %shift_left3A_401 = vector.broadcast %shift_left3A_400 : i32 to vector<16xi32>
      %shift_left3A_402 = arith.shli %min3A_399, %shift_left3A_401 : vector<16xi32>
      %add3A_403 = arith.addi %shift_left3A_402, %convert_element_type3A_336 : vector<16xi32>
      %add3A_404 = arith.constant 2 : i32
      %add3A_405 = vector.broadcast %add3A_404 : i32 to vector<16xi32>
      %add3A_406 = arith.addi %shift_right_arithmetic3A_380, %add3A_405 : vector<16xi32>
      %min3A_407 = arith.constant 16 : i32
      %min3A_408 = vector.broadcast %min3A_407 : i32 to vector<16xi32>
      %min3A_409 = arith.minsi %add3A_406, %min3A_408 : vector<16xi32>
      %shift_left3A_410 = arith.constant 9 : i32
      %shift_left3A_411 = vector.broadcast %shift_left3A_410 : i32 to vector<16xi32>
      %shift_left3A_412 = arith.shli %min3A_409, %shift_left3A_411 : vector<16xi32>
      %add3A_413 = arith.addi %shift_left3A_412, %convert_element_type3A_336 : vector<16xi32>
      %add3A_414 = arith.constant 3 : i32
      %add3A_415 = vector.broadcast %add3A_414 : i32 to vector<16xi32>
      %add3A_416 = arith.addi %shift_right_arithmetic3A_380, %add3A_415 : vector<16xi32>
      %min3A_417 = arith.constant 16 : i32
      %min3A_418 = vector.broadcast %min3A_417 : i32 to vector<16xi32>
      %min3A_419 = arith.minsi %add3A_416, %min3A_418 : vector<16xi32>
      %shift_left3A_420 = arith.constant 9 : i32
      %shift_left3A_421 = vector.broadcast %shift_left3A_420 : i32 to vector<16xi32>
      %shift_left3A_422 = arith.shli %min3A_419, %shift_left3A_421 : vector<16xi32>
      %add3A_423 = arith.addi %shift_left3A_422, %convert_element_type3A_336 : vector<16xi32>
      %mul3A_424 = arith.constant 16 : i32
      %mul3A_425 = arith.muli %scan3A_302, %mul3A_424 : i32
      %add3A_426 = vector.broadcast %mul3A_425 : i32 to vector<16xi32>
      %add3A_427 = arith.addi %add3A_426, %iota3A : vector<16xi32>
      %mul3A_428 = arith.constant 16 : i32
      %mul3A_429 = vector.broadcast %mul3A_428 : i32 to vector<16xi32>
      %mul3A_430 = arith.muli %add3A_427, %mul3A_429 : vector<16xi32>
      %add3A_431 = arith.addi %shift_left3A_362, %and3A_375 : vector<16xi32>
      tpu.vector_store_idx %arg9[%mul3A_430], %add3A_431 : memref<8224xi32, #tpu.memory_space<vmem>>[vector<16xi32>], vector<16xi32>,
      %add3A_432 = arith.constant 1 : i32
      %add3A_433 = vector.broadcast %add3A_432 : i32 to vector<16xi32>
      %add3A_434 = arith.addi %mul3A_430, %add3A_433 : vector<16xi32>
      %add3A_435 = arith.constant 128 : i32
      %add3A_436 = vector.broadcast %add3A_435 : i32 to vector<16xi32>
      %add3A_437 = arith.addi %shift_left3A_362, %add3A_436 : vector<16xi32>
      %sub3A_438 = arith.constant 1 : i32
      %sub3A_439 = vector.broadcast %sub3A_438 : i32 to vector<16xi32>
      %sub3A_440 = arith.subi %add3A_437, %sub3A_439 : vector<16xi32>
      tpu.vector_store_idx %arg9[%add3A_434], %sub3A_440 : memref<8224xi32, #tpu.memory_space<vmem>>[vector<16xi32>], vector<16xi32>,
      %add3A_441 = arith.constant 2 : i32
      %add3A_442 = vector.broadcast %add3A_441 : i32 to vector<16xi32>
      %add3A_443 = arith.addi %mul3A_430, %add3A_442 : vector<16xi32>
      tpu.vector_store_idx %arg9[%add3A_443], %shift_left3A_371 : memref<8224xi32, #tpu.memory_space<vmem>>[vector<16xi32>], vector<16xi32>,
      %add3A_444 = arith.constant 3 : i32
      %add3A_445 = vector.broadcast %add3A_444 : i32 to vector<16xi32>
      %add3A_446 = arith.addi %mul3A_430, %add3A_445 : vector<16xi32>
      tpu.vector_store_idx %arg9[%add3A_446], %shift_right_arithmetic3A_389 : memref<8224xi32, #tpu.memory_space<vmem>>[vector<16xi32>], vector<16xi32>,
      %add3A_447 = arith.constant 4 : i32
      %add3A_448 = vector.broadcast %add3A_447 : i32 to vector<16xi32>
      %add3A_449 = arith.addi %mul3A_430, %add3A_448 : vector<16xi32>
      tpu.vector_store_idx %arg9[%add3A_449], %add3A_393 : memref<8224xi32, #tpu.memory_space<vmem>>[vector<16xi32>], vector<16xi32>,
      %add3A_450 = arith.constant 5 : i32
      %add3A_451 = vector.broadcast %add3A_450 : i32 to vector<16xi32>
      %add3A_452 = arith.addi %mul3A_430, %add3A_451 : vector<16xi32>
      tpu.vector_store_idx %arg9[%add3A_452], %add3A_403 : memref<8224xi32, #tpu.memory_space<vmem>>[vector<16xi32>], vector<16xi32>,
      %add3A_453 = arith.constant 6 : i32
      %add3A_454 = vector.broadcast %add3A_453 : i32 to vector<16xi32>
      %add3A_455 = arith.addi %mul3A_430, %add3A_454 : vector<16xi32>
      tpu.vector_store_idx %arg9[%add3A_455], %add3A_413 : memref<8224xi32, #tpu.memory_space<vmem>>[vector<16xi32>], vector<16xi32>,
      %add3A_456 = arith.constant 7 : i32
      %add3A_457 = vector.broadcast %add3A_456 : i32 to vector<16xi32>
      %add3A_458 = arith.addi %mul3A_430, %add3A_457 : vector<16xi32>
      tpu.vector_store_idx %arg9[%add3A_458], %add3A_423 : memref<8224xi32, #tpu.memory_space<vmem>>[vector<16xi32>], vector<16xi32>,
      %add3A_459 = arith.constant 8 : i32
      %add3A_460 = vector.broadcast %add3A_459 : i32 to vector<16xi32>
      %add3A_461 = arith.addi %mul3A_430, %add3A_460 : vector<16xi32>
      %sub3A_462 = arith.subi %sub3A_353, %and3A_375 : vector<16xi32>
      tpu.vector_store_idx %arg9[%add3A_461], %sub3A_462 : memref<8224xi32, #tpu.memory_space<vmem>>[vector<16xi32>], vector<16xi32>,
    }
    %scan3A_14 = arith.constant 32 : i32
    %add3A_15 = arith.constant 8192 : i32
    %add3A_16 = vector.broadcast %add3A_15 : i32 to vector<16xi32>
    %add3A_17 = arith.addi %add3A_16, %iota3A : vector<16xi32>
    %broadcast_in_dim3A = arith.constant 0 : i32
    %broadcast_in_dim3A_18 = vector.broadcast %broadcast_in_dim3A : i32 to vector<16xi32>
    tpu.vector_store_idx %arg9[%add3A_17], %broadcast_in_dim3A_18 : memref<8224xi32, #tpu.memory_space<vmem>>[vector<16xi32>], vector<16xi32>,
    %gather3A = tpu.vector_load_idx %arg9[%iota3A] : memref<8224xi32, #tpu.memory_space<vmem>>[vector<16xi32>], vector<16xi32>,
    %slice3A = vector.extract_strided_slice %gather3A {offsets = [0], sizes = [1], strides = [1]} : vector<16xi32> to vector<1xi32>
    %squeeze3A = vector.extract %slice3A[0] : i32 from vector<1xi32>
    %add3A_19 = vector.broadcast %squeeze3A : i32 to vector<16xi32>
    %add3A_20 = arith.addi %add3A_19, %mul3A_3 : vector<16xi32>
    %slice3A_21 = vector.extract_strided_slice %gather3A {offsets = [1], sizes = [1], strides = [1]} : vector<16xi32> to vector<1xi32>
    %squeeze3A_22 = vector.extract %slice3A_21[0] : i32 from vector<1xi32>
    %min3A = vector.broadcast %squeeze3A_22 : i32 to vector<16xi32>
    %min3A_23 = arith.minsi %add3A_20, %min3A : vector<16xi32>
    %gather3A_24 = tpu.vector_load_idx %arg8[%min3A_23] : memref<16384xi32, #tpu.memory_space<vmem>>[vector<16xi32>], vector<16xi32>,
    %shift_left3A = arith.constant 6 : i32
    %shift_left3A_25 = vector.broadcast %shift_left3A : i32 to vector<16xi32>
    %shift_left3A_26 = arith.shli %gather3A_24, %shift_left3A_25 : vector<16xi32>
    %scan3A_27 = arith.constant 0 : i32
    %scan3A_28 = arith.constant 512 : i32
    %scan3A_29 = arith.addi %scan3A_27, %scan3A_28 : i32
    %scan3A_30 = arith.constant 1 : i32
    %scan3A_31:2 = scf.for %scan3A_302 = %scan3A_27 to %scan3A_29 step %scan3A_30 iter_args(%scan3A_303 = %gather3A, %scan3A_304 = %shift_left3A_26) -> (vector<16xi32>, vector<16xi32>)  : i32 {
      %add3A_305 = arith.constant 1 : i32
      %add3A_306 = arith.addi %scan3A_302, %add3A_305 : i32
      %mul3A_307 = arith.constant 16 : i32
      %mul3A_308 = arith.muli %add3A_306, %mul3A_307 : i32
      %add3A_309 = vector.broadcast %mul3A_308 : i32 to vector<16xi32>
      %add3A_310 = arith.addi %add3A_309, %iota3A : vector<16xi32>
      %gather3A_311 = tpu.vector_load_idx %arg9[%add3A_310] : memref<8224xi32, #tpu.memory_space<vmem>>[vector<16xi32>], vector<16xi32>,
      %slice3A_312 = vector.extract_strided_slice %scan3A_303 {offsets = [2], sizes = [1], strides = [1]} : vector<16xi32> to vector<1xi32>
      %squeeze3A_313 = vector.extract %slice3A_312[0] : i32 from vector<1xi32>
      %slice3A_314 = vector.extract_strided_slice %scan3A_303 {offsets = [3], sizes = [1], strides = [1]} : vector<16xi32> to vector<1xi32>
      %squeeze3A_315 = vector.extract %slice3A_314[0] : i32 from vector<1xi32>
      %slice3A_316 = vector.extract_strided_slice %scan3A_303 {offsets = [4], sizes = [1], strides = [1]} : vector<16xi32> to vector<1xi32>
      %squeeze3A_317 = vector.extract %slice3A_316[0] : i32 from vector<1xi32>
      %slice3A_318 = vector.extract_strided_slice %scan3A_303 {offsets = [5], sizes = [1], strides = [1]} : vector<16xi32> to vector<1xi32>
      %squeeze3A_319 = vector.extract %slice3A_318[0] : i32 from vector<1xi32>
      %slice3A_320 = vector.extract_strided_slice %scan3A_303 {offsets = [6], sizes = [1], strides = [1]} : vector<16xi32> to vector<1xi32>
      %squeeze3A_321 = vector.extract %slice3A_320[0] : i32 from vector<1xi32>
      %slice3A_322 = vector.extract_strided_slice %scan3A_303 {offsets = [7], sizes = [1], strides = [1]} : vector<16xi32> to vector<1xi32>
      %squeeze3A_323 = vector.extract %slice3A_322[0] : i32 from vector<1xi32>
      %slice3A_324 = vector.extract_strided_slice %scan3A_303 {offsets = [8], sizes = [1], strides = [1]} : vector<16xi32> to vector<1xi32>
      %squeeze3A_325 = vector.extract %slice3A_324[0] : i32 from vector<1xi32>
      %slice3A_326 = vector.extract_strided_slice %scan3A_304 {offsets = [0], sizes = [1], strides = [1]} : vector<16xi32> to vector<1xi32>
      %squeeze3A_327 = vector.extract %slice3A_326[0] : i32 from vector<1xi32>
      %slice3A_328 = vector.extract_strided_slice %scan3A_304 {offsets = [1], sizes = [1], strides = [1]} : vector<16xi32> to vector<1xi32>
      %squeeze3A_329 = vector.extract %slice3A_328[0] : i32 from vector<1xi32>
      %parallel_loop3A = arith.constant 0 : i32
      %parallel_loop3A_330 = arith.constant 1 : i32
      scf.for %parallel_loop3A_345 = %parallel_loop3A to %squeeze3A_315 step %parallel_loop3A_330  : i32 {
        %parallel_loop3A_346 = arith.constant 32 : i32
        %parallel_loop3A_347 = arith.muli %parallel_loop3A_345, %parallel_loop3A_346 : i32
        %parallel_loop3A_348 = arith.addi %squeeze3A_313, %parallel_loop3A_347 : i32
        %parallel_loop3A_349 = arith.index_cast %parallel_loop3A_348 : i32 to index
        %parallel_loop3A_350 = tpu.vector_load %arg8[%parallel_loop3A_349] {strides = array<i32>} : memref<16384xi32, #tpu.memory_space<vmem>>, vector<16xi32>,
        %parallel_loop3A_351 = arith.constant 16 : i32
        %parallel_loop3A_352 = arith.addi %parallel_loop3A_348, %parallel_loop3A_351 : i32
        %parallel_loop3A_353 = arith.index_cast %parallel_loop3A_352 : i32 to index
        %parallel_loop3A_354 = tpu.vector_load %arg8[%parallel_loop3A_353] {strides = array<i32>} : memref<16384xi32, #tpu.memory_space<vmem>>, vector<16xi32>,
        %parallel_loop3A_355 = vector.broadcast %squeeze3A_327 : i32 to vector<16xi32>
        %parallel_loop3A_356 = arith.addi %parallel_loop3A_355, %parallel_loop3A_350 : vector<16xi32>
        %parallel_loop3A_357 = tpu.vector_load_idx %arg7[%parallel_loop3A_356] : memref<4096xf32, #tpu.memory_space<vmem>>[vector<16xi32>], vector<16xf32>,
        %parallel_loop3A_358 = vector.broadcast %squeeze3A_327 : i32 to vector<16xi32>
        %parallel_loop3A_359 = arith.addi %parallel_loop3A_358, %parallel_loop3A_354 : vector<16xi32>
        %parallel_loop3A_360 = tpu.vector_load_idx %arg7[%parallel_loop3A_359] : memref<4096xf32, #tpu.memory_space<vmem>>[vector<16xi32>], vector<16xf32>,
        %parallel_loop3A_361 = arith.constant 32 : i32
        %parallel_loop3A_362 = arith.muli %parallel_loop3A_345, %parallel_loop3A_361 : i32
        %parallel_loop3A_363 = arith.addi %squeeze3A_317, %parallel_loop3A_362 : i32
        %parallel_loop3A_364 = arith.constant 32 : i32
        %parallel_loop3A_365 = arith.muli %parallel_loop3A_345, %parallel_loop3A_364 : i32
        %parallel_loop3A_366 = arith.addi %squeeze3A_317, %parallel_loop3A_365 : i32
        %parallel_loop3A_367 = arith.constant 16 : i32
        %parallel_loop3A_368 = arith.addi %parallel_loop3A_366, %parallel_loop3A_367 : i32
        %parallel_loop3A_369 = arith.index_cast %parallel_loop3A_363 : i32 to index
        %parallel_loop3A_370 = tpu.vector_load %arg10[%parallel_loop3A_369] {strides = array<i32>} : memref<8704xf32, #tpu.memory_space<vmem>>, vector<16xf32>,
        %parallel_loop3A_371 = arith.maximumf %parallel_loop3A_370, %parallel_loop3A_357 : vector<16xf32>
        %parallel_loop3A_372 = arith.index_cast %parallel_loop3A_363 : i32 to index
        %parallel_loop3A_373 = tpu.vector_load %arg10[%parallel_loop3A_372] {strides = array<i32>} : memref<8704xf32, #tpu.memory_space<vmem>>, vector<16xf32>,
        tpu.vector_store %arg10[%parallel_loop3A_372], %parallel_loop3A_371 {strides = array<i32>} : memref<8704xf32, #tpu.memory_space<vmem>>, vector<16xf32>,
        %parallel_loop3A_374 = arith.index_cast %parallel_loop3A_368 : i32 to index
        %parallel_loop3A_375 = tpu.vector_load %arg10[%parallel_loop3A_374] {strides = array<i32>} : memref<8704xf32, #tpu.memory_space<vmem>>, vector<16xf32>,
        %parallel_loop3A_376 = arith.maximumf %parallel_loop3A_375, %parallel_loop3A_360 : vector<16xf32>
        %parallel_loop3A_377 = arith.index_cast %parallel_loop3A_368 : i32 to index
        %parallel_loop3A_378 = tpu.vector_load %arg10[%parallel_loop3A_377] {strides = array<i32>} : memref<8704xf32, #tpu.memory_space<vmem>>, vector<16xf32>,
        tpu.vector_store %arg10[%parallel_loop3A_377], %parallel_loop3A_376 {strides = array<i32>} : memref<8704xf32, #tpu.memory_space<vmem>>, vector<16xf32>,
        %parallel_loop3A_379 = vector.broadcast %squeeze3A_329 : i32 to vector<16xi32>
        %parallel_loop3A_380 = arith.addi %parallel_loop3A_379, %parallel_loop3A_350 : vector<16xi32>
        %parallel_loop3A_381 = tpu.vector_load_idx %arg7[%parallel_loop3A_380] : memref<4096xf32, #tpu.memory_space<vmem>>[vector<16xi32>], vector<16xf32>,
        %parallel_loop3A_382 = vector.broadcast %squeeze3A_329 : i32 to vector<16xi32>
        %parallel_loop3A_383 = arith.addi %parallel_loop3A_382, %parallel_loop3A_354 : vector<16xi32>
        %parallel_loop3A_384 = tpu.vector_load_idx %arg7[%parallel_loop3A_383] : memref<4096xf32, #tpu.memory_space<vmem>>[vector<16xi32>], vector<16xf32>,
        %parallel_loop3A_385 = arith.constant 32 : i32
        %parallel_loop3A_386 = arith.muli %parallel_loop3A_345, %parallel_loop3A_385 : i32
        %parallel_loop3A_387 = arith.addi %squeeze3A_319, %parallel_loop3A_386 : i32
        %parallel_loop3A_388 = arith.constant 32 : i32
        %parallel_loop3A_389 = arith.muli %parallel_loop3A_345, %parallel_loop3A_388 : i32
        %parallel_loop3A_390 = arith.addi %squeeze3A_319, %parallel_loop3A_389 : i32
        %parallel_loop3A_391 = arith.constant 16 : i32
        %parallel_loop3A_392 = arith.addi %parallel_loop3A_390, %parallel_loop3A_391 : i32
        %parallel_loop3A_393 = arith.index_cast %parallel_loop3A_387 : i32 to index
        %parallel_loop3A_394 = tpu.vector_load %arg10[%parallel_loop3A_393] {strides = array<i32>} : memref<8704xf32, #tpu.memory_space<vmem>>, vector<16xf32>,
        %parallel_loop3A_395 = arith.maximumf %parallel_loop3A_394, %parallel_loop3A_381 : vector<16xf32>
        %parallel_loop3A_396 = arith.index_cast %parallel_loop3A_387 : i32 to index
        %parallel_loop3A_397 = tpu.vector_load %arg10[%parallel_loop3A_396] {strides = array<i32>} : memref<8704xf32, #tpu.memory_space<vmem>>, vector<16xf32>,
        tpu.vector_store %arg10[%parallel_loop3A_396], %parallel_loop3A_395 {strides = array<i32>} : memref<8704xf32, #tpu.memory_space<vmem>>, vector<16xf32>,
        %parallel_loop3A_398 = arith.index_cast %parallel_loop3A_392 : i32 to index
        %parallel_loop3A_399 = tpu.vector_load %arg10[%parallel_loop3A_398] {strides = array<i32>} : memref<8704xf32, #tpu.memory_space<vmem>>, vector<16xf32>,
        %parallel_loop3A_400 = arith.maximumf %parallel_loop3A_399, %parallel_loop3A_384 : vector<16xf32>
        %parallel_loop3A_401 = arith.index_cast %parallel_loop3A_392 : i32 to index
        %parallel_loop3A_402 = tpu.vector_load %arg10[%parallel_loop3A_401] {strides = array<i32>} : memref<8704xf32, #tpu.memory_space<vmem>>, vector<16xf32>,
        tpu.vector_store %arg10[%parallel_loop3A_401], %parallel_loop3A_400 {strides = array<i32>} : memref<8704xf32, #tpu.memory_space<vmem>>, vector<16xf32>,
      } {sc.loop_unroll_factor = 2 : i64, sc.parallel_access}
      %gt3A = arith.constant 64 : i32
      %gt3A_331 = arith.cmpi sgt, %squeeze3A_325, %gt3A : i32
      %convert_element_type3A = arith.extui %gt3A_331 : i1 to i32
      %cond3A = arith.constant 0 : i32
      %cond3A_332 = arith.cmpi ne, %convert_element_type3A, %cond3A : i32
      scf.if %cond3A_332 {
        %slice3A_345 = vector.extract_strided_slice %scan3A_304 {offsets = [2], sizes = [1], strides = [1]} : vector<16xi32> to vector<1xi32>
        %squeeze3A_346 = vector.extract %slice3A_345[0] : i32 from vector<1xi32>
        %slice3A_347 = vector.extract_strided_slice %scan3A_304 {offsets = [3], sizes = [1], strides = [1]} : vector<16xi32> to vector<1xi32>
        %squeeze3A_348 = vector.extract %slice3A_347[0] : i32 from vector<1xi32>
        %parallel_loop3A_349 = arith.constant 0 : i32
        %parallel_loop3A_350 = arith.constant 1 : i32
        scf.for %parallel_loop3A_351 = %parallel_loop3A_349 to %squeeze3A_315 step %parallel_loop3A_350  : i32 {
          %parallel_loop3A_352 = arith.constant 32 : i32
          %parallel_loop3A_353 = arith.muli %parallel_loop3A_351, %parallel_loop3A_352 : i32
          %parallel_loop3A_354 = arith.addi %squeeze3A_313, %parallel_loop3A_353 : i32
          %parallel_loop3A_355 = arith.index_cast %parallel_loop3A_354 : i32 to index
          %parallel_loop3A_356 = tpu.vector_load %arg8[%parallel_loop3A_355] {strides = array<i32>} : memref<16384xi32, #tpu.memory_space<vmem>>, vector<16xi32>,
          %parallel_loop3A_357 = arith.constant 16 : i32
          %parallel_loop3A_358 = arith.addi %parallel_loop3A_354, %parallel_loop3A_357 : i32
          %parallel_loop3A_359 = arith.index_cast %parallel_loop3A_358 : i32 to index
          %parallel_loop3A_360 = tpu.vector_load %arg8[%parallel_loop3A_359] {strides = array<i32>} : memref<16384xi32, #tpu.memory_space<vmem>>, vector<16xi32>,
          %parallel_loop3A_361 = vector.broadcast %squeeze3A_346 : i32 to vector<16xi32>
          %parallel_loop3A_362 = arith.addi %parallel_loop3A_361, %parallel_loop3A_356 : vector<16xi32>
          %parallel_loop3A_363 = tpu.vector_load_idx %arg7[%parallel_loop3A_362] : memref<4096xf32, #tpu.memory_space<vmem>>[vector<16xi32>], vector<16xf32>,
          %parallel_loop3A_364 = vector.broadcast %squeeze3A_346 : i32 to vector<16xi32>
          %parallel_loop3A_365 = arith.addi %parallel_loop3A_364, %parallel_loop3A_360 : vector<16xi32>
          %parallel_loop3A_366 = tpu.vector_load_idx %arg7[%parallel_loop3A_365] : memref<4096xf32, #tpu.memory_space<vmem>>[vector<16xi32>], vector<16xf32>,
          %parallel_loop3A_367 = arith.constant 32 : i32
          %parallel_loop3A_368 = arith.muli %parallel_loop3A_351, %parallel_loop3A_367 : i32
          %parallel_loop3A_369 = arith.addi %squeeze3A_321, %parallel_loop3A_368 : i32
          %parallel_loop3A_370 = arith.constant 32 : i32
          %parallel_loop3A_371 = arith.muli %parallel_loop3A_351, %parallel_loop3A_370 : i32
          %parallel_loop3A_372 = arith.addi %squeeze3A_321, %parallel_loop3A_371 : i32
          %parallel_loop3A_373 = arith.constant 16 : i32
          %parallel_loop3A_374 = arith.addi %parallel_loop3A_372, %parallel_loop3A_373 : i32
          %parallel_loop3A_375 = arith.index_cast %parallel_loop3A_369 : i32 to index
          %parallel_loop3A_376 = tpu.vector_load %arg10[%parallel_loop3A_375] {strides = array<i32>} : memref<8704xf32, #tpu.memory_space<vmem>>, vector<16xf32>,
          %parallel_loop3A_377 = arith.maximumf %parallel_loop3A_376, %parallel_loop3A_363 : vector<16xf32>
          %parallel_loop3A_378 = arith.index_cast %parallel_loop3A_369 : i32 to index
          %parallel_loop3A_379 = tpu.vector_load %arg10[%parallel_loop3A_378] {strides = array<i32>} : memref<8704xf32, #tpu.memory_space<vmem>>, vector<16xf32>,
          tpu.vector_store %arg10[%parallel_loop3A_378], %parallel_loop3A_377 {strides = array<i32>} : memref<8704xf32, #tpu.memory_space<vmem>>, vector<16xf32>,
          %parallel_loop3A_380 = arith.index_cast %parallel_loop3A_374 : i32 to index
          %parallel_loop3A_381 = tpu.vector_load %arg10[%parallel_loop3A_380] {strides = array<i32>} : memref<8704xf32, #tpu.memory_space<vmem>>, vector<16xf32>,
          %parallel_loop3A_382 = arith.maximumf %parallel_loop3A_381, %parallel_loop3A_366 : vector<16xf32>
          %parallel_loop3A_383 = arith.index_cast %parallel_loop3A_374 : i32 to index
          %parallel_loop3A_384 = tpu.vector_load %arg10[%parallel_loop3A_383] {strides = array<i32>} : memref<8704xf32, #tpu.memory_space<vmem>>, vector<16xf32>,
          tpu.vector_store %arg10[%parallel_loop3A_383], %parallel_loop3A_382 {strides = array<i32>} : memref<8704xf32, #tpu.memory_space<vmem>>, vector<16xf32>,
          %parallel_loop3A_385 = vector.broadcast %squeeze3A_348 : i32 to vector<16xi32>
          %parallel_loop3A_386 = arith.addi %parallel_loop3A_385, %parallel_loop3A_356 : vector<16xi32>
          %parallel_loop3A_387 = tpu.vector_load_idx %arg7[%parallel_loop3A_386] : memref<4096xf32, #tpu.memory_space<vmem>>[vector<16xi32>], vector<16xf32>,
          %parallel_loop3A_388 = vector.broadcast %squeeze3A_348 : i32 to vector<16xi32>
          %parallel_loop3A_389 = arith.addi %parallel_loop3A_388, %parallel_loop3A_360 : vector<16xi32>
          %parallel_loop3A_390 = tpu.vector_load_idx %arg7[%parallel_loop3A_389] : memref<4096xf32, #tpu.memory_space<vmem>>[vector<16xi32>], vector<16xf32>,
          %parallel_loop3A_391 = arith.constant 32 : i32
          %parallel_loop3A_392 = arith.muli %parallel_loop3A_351, %parallel_loop3A_391 : i32
          %parallel_loop3A_393 = arith.addi %squeeze3A_323, %parallel_loop3A_392 : i32
          %parallel_loop3A_394 = arith.constant 32 : i32
          %parallel_loop3A_395 = arith.muli %parallel_loop3A_351, %parallel_loop3A_394 : i32
          %parallel_loop3A_396 = arith.addi %squeeze3A_323, %parallel_loop3A_395 : i32
          %parallel_loop3A_397 = arith.constant 16 : i32
          %parallel_loop3A_398 = arith.addi %parallel_loop3A_396, %parallel_loop3A_397 : i32
          %parallel_loop3A_399 = arith.index_cast %parallel_loop3A_393 : i32 to index
          %parallel_loop3A_400 = tpu.vector_load %arg10[%parallel_loop3A_399] {strides = array<i32>} : memref<8704xf32, #tpu.memory_space<vmem>>, vector<16xf32>,
          %parallel_loop3A_401 = arith.maximumf %parallel_loop3A_400, %parallel_loop3A_387 : vector<16xf32>
          %parallel_loop3A_402 = arith.index_cast %parallel_loop3A_393 : i32 to index
          %parallel_loop3A_403 = tpu.vector_load %arg10[%parallel_loop3A_402] {strides = array<i32>} : memref<8704xf32, #tpu.memory_space<vmem>>, vector<16xf32>,
          tpu.vector_store %arg10[%parallel_loop3A_402], %parallel_loop3A_401 {strides = array<i32>} : memref<8704xf32, #tpu.memory_space<vmem>>, vector<16xf32>,
          %parallel_loop3A_404 = arith.index_cast %parallel_loop3A_398 : i32 to index
          %parallel_loop3A_405 = tpu.vector_load %arg10[%parallel_loop3A_404] {strides = array<i32>} : memref<8704xf32, #tpu.memory_space<vmem>>, vector<16xf32>,
          %parallel_loop3A_406 = arith.maximumf %parallel_loop3A_405, %parallel_loop3A_390 : vector<16xf32>
          %parallel_loop3A_407 = arith.index_cast %parallel_loop3A_398 : i32 to index
          %parallel_loop3A_408 = tpu.vector_load %arg10[%parallel_loop3A_407] {strides = array<i32>} : memref<8704xf32, #tpu.memory_space<vmem>>, vector<16xf32>,
          tpu.vector_store %arg10[%parallel_loop3A_407], %parallel_loop3A_406 {strides = array<i32>} : memref<8704xf32, #tpu.memory_space<vmem>>, vector<16xf32>,
        } {sc.loop_unroll_factor = 2 : i64, sc.parallel_access}
      } else {
      }
      %slice3A_333 = vector.extract_strided_slice %gather3A_311 {offsets = [0], sizes = [1], strides = [1]} : vector<16xi32> to vector<1xi32>
      %squeeze3A_334 = vector.extract %slice3A_333[0] : i32 from vector<1xi32>
      %add3A_335 = vector.broadcast %squeeze3A_334 : i32 to vector<16xi32>
      %add3A_336 = arith.addi %add3A_335, %mul3A_3 : vector<16xi32>
      %slice3A_337 = vector.extract_strided_slice %gather3A_311 {offsets = [1], sizes = [1], strides = [1]} : vector<16xi32> to vector<1xi32>
      %squeeze3A_338 = vector.extract %slice3A_337[0] : i32 from vector<1xi32>
      %min3A_339 = vector.broadcast %squeeze3A_338 : i32 to vector<16xi32>
      %min3A_340 = arith.minsi %add3A_336, %min3A_339 : vector<16xi32>
      %gather3A_341 = tpu.vector_load_idx %arg8[%min3A_340] : memref<16384xi32, #tpu.memory_space<vmem>>[vector<16xi32>], vector<16xi32>,
      %shift_left3A_342 = arith.constant 6 : i32
      %shift_left3A_343 = vector.broadcast %shift_left3A_342 : i32 to vector<16xi32>
      %shift_left3A_344 = arith.shli %gather3A_341, %shift_left3A_343 : vector<16xi32>
      scf.yield %gather3A_311, %shift_left3A_344 : vector<16xi32>, vector<16xi32>
    }
    %scan3A_32 = arith.constant 512 : i32
    %add3A_33 = arith.constant 0 : i32
    %add3A_34 = arith.addi %add3A, %add3A_33 : i32
    %mul3A_35 = arith.constant 512 : i32
    %mul3A_36 = arith.muli %add3A_34, %mul3A_35 : i32
    %multiple_of3A = tpu.assume_multiple %mul3A_36, 512 : i32
    %dma_start3A = arith.constant 0 : i32
    %dma_start3A_37 = tpu.memref_slice %arg10[%dma_start3A] : memref<8704xf32, #tpu.memory_space<vmem>> -> memref<512xf32, #tpu.memory_space<vmem>>
    %dma_start3A_38 = tpu.memref_slice %arg5[%multiple_of3A] : memref<262144xf32, #tpu.memory_space<hbm>> -> memref<512xf32, #tpu.memory_space<hbm>>
    %dma_start3A_39 = tpu.memref_slice %arg5[%multiple_of3A] : memref<262144xf32, #tpu.memory_space<hbm>> -> memref<512xf32, #tpu.memory_space<hbm>>
    %dma_start3A_40 = arith.constant 0 : i32
    %dma_start3A_41 = tpu.memref_slice %arg10[%dma_start3A_40] : memref<8704xf32, #tpu.memory_space<vmem>> -> memref<512xf32, #tpu.memory_space<vmem>>
    tpu.enqueue_dma source(%dma_start3A_41 : memref<512xf32, #tpu.memory_space<vmem>>) target(%dma_start3A_39 : memref<512xf32, #tpu.memory_space<hbm>>) target_semaphore(%arg11 : memref<!tpu.dma_semaphore, #tpu.memory_space<semaphore_mem>>)
    %add3A_42 = arith.constant 32 : i32
    %add3A_43 = arith.addi %add3A, %add3A_42 : i32
    %mul3A_44 = arith.constant 512 : i32
    %mul3A_45 = arith.muli %add3A_43, %mul3A_44 : i32
    %multiple_of3A_46 = tpu.assume_multiple %mul3A_45, 512 : i32
    %dma_start3A_47 = arith.constant 512 : i32
    %dma_start3A_48 = tpu.memref_slice %arg10[%dma_start3A_47] : memref<8704xf32, #tpu.memory_space<vmem>> -> memref<512xf32, #tpu.memory_space<vmem>>
    %dma_start3A_49 = tpu.memref_slice %arg5[%multiple_of3A_46] : memref<262144xf32, #tpu.memory_space<hbm>> -> memref<512xf32, #tpu.memory_space<hbm>>
    %dma_start3A_50 = tpu.memref_slice %arg5[%multiple_of3A_46] : memref<262144xf32, #tpu.memory_space<hbm>> -> memref<512xf32, #tpu.memory_space<hbm>>
    %dma_start3A_51 = arith.constant 512 : i32
    %dma_start3A_52 = tpu.memref_slice %arg10[%dma_start3A_51] : memref<8704xf32, #tpu.memory_space<vmem>> -> memref<512xf32, #tpu.memory_space<vmem>>
    tpu.enqueue_dma source(%dma_start3A_52 : memref<512xf32, #tpu.memory_space<vmem>>) target(%dma_start3A_50 : memref<512xf32, #tpu.memory_space<hbm>>) target_semaphore(%arg11 : memref<!tpu.dma_semaphore, #tpu.memory_space<semaphore_mem>>)
    %add3A_53 = arith.constant 64 : i32
    %add3A_54 = arith.addi %add3A, %add3A_53 : i32
    %mul3A_55 = arith.constant 512 : i32
    %mul3A_56 = arith.muli %add3A_54, %mul3A_55 : i32
    %multiple_of3A_57 = tpu.assume_multiple %mul3A_56, 512 : i32
    %dma_start3A_58 = arith.constant 1024 : i32
    %dma_start3A_59 = tpu.memref_slice %arg10[%dma_start3A_58] : memref<8704xf32, #tpu.memory_space<vmem>> -> memref<512xf32, #tpu.memory_space<vmem>>
    %dma_start3A_60 = tpu.memref_slice %arg5[%multiple_of3A_57] : memref<262144xf32, #tpu.memory_space<hbm>> -> memref<512xf32, #tpu.memory_space<hbm>>
    %dma_start3A_61 = tpu.memref_slice %arg5[%multiple_of3A_57] : memref<262144xf32, #tpu.memory_space<hbm>> -> memref<512xf32, #tpu.memory_space<hbm>>
    %dma_start3A_62 = arith.constant 1024 : i32
    %dma_start3A_63 = tpu.memref_slice %arg10[%dma_start3A_62] : memref<8704xf32, #tpu.memory_space<vmem>> -> memref<512xf32, #tpu.memory_space<vmem>>
    tpu.enqueue_dma source(%dma_start3A_63 : memref<512xf32, #tpu.memory_space<vmem>>) target(%dma_start3A_61 : memref<512xf32, #tpu.memory_space<hbm>>) target_semaphore(%arg11 : memref<!tpu.dma_semaphore, #tpu.memory_space<semaphore_mem>>)
    %add3A_64 = arith.constant 96 : i32
    %add3A_65 = arith.addi %add3A, %add3A_64 : i32
    %mul3A_66 = arith.constant 512 : i32
    %mul3A_67 = arith.muli %add3A_65, %mul3A_66 : i32
    %multiple_of3A_68 = tpu.assume_multiple %mul3A_67, 512 : i32
    %dma_start3A_69 = arith.constant 1536 : i32
    %dma_start3A_70 = tpu.memref_slice %arg10[%dma_start3A_69] : memref<8704xf32, #tpu.memory_space<vmem>> -> memref<512xf32, #tpu.memory_space<vmem>>
    %dma_start3A_71 = tpu.memref_slice %arg5[%multiple_of3A_68] : memref<262144xf32, #tpu.memory_space<hbm>> -> memref<512xf32, #tpu.memory_space<hbm>>
    %dma_start3A_72 = tpu.memref_slice %arg5[%multiple_of3A_68] : memref<262144xf32, #tpu.memory_space<hbm>> -> memref<512xf32, #tpu.memory_space<hbm>>
    %dma_start3A_73 = arith.constant 1536 : i32
    %dma_start3A_74 = tpu.memref_slice %arg10[%dma_start3A_73] : memref<8704xf32, #tpu.memory_space<vmem>> -> memref<512xf32, #tpu.memory_space<vmem>>
    tpu.enqueue_dma source(%dma_start3A_74 : memref<512xf32, #tpu.memory_space<vmem>>) target(%dma_start3A_72 : memref<512xf32, #tpu.memory_space<hbm>>) target_semaphore(%arg11 : memref<!tpu.dma_semaphore, #tpu.memory_space<semaphore_mem>>)
    %add3A_75 = arith.constant 128 : i32
    %add3A_76 = arith.addi %add3A, %add3A_75 : i32
    %mul3A_77 = arith.constant 512 : i32
    %mul3A_78 = arith.muli %add3A_76, %mul3A_77 : i32
    %multiple_of3A_79 = tpu.assume_multiple %mul3A_78, 512 : i32
    %dma_start3A_80 = arith.constant 2048 : i32
    %dma_start3A_81 = tpu.memref_slice %arg10[%dma_start3A_80] : memref<8704xf32, #tpu.memory_space<vmem>> -> memref<512xf32, #tpu.memory_space<vmem>>
    %dma_start3A_82 = tpu.memref_slice %arg5[%multiple_of3A_79] : memref<262144xf32, #tpu.memory_space<hbm>> -> memref<512xf32, #tpu.memory_space<hbm>>
    %dma_start3A_83 = tpu.memref_slice %arg5[%multiple_of3A_79] : memref<262144xf32, #tpu.memory_space<hbm>> -> memref<512xf32, #tpu.memory_space<hbm>>
    %dma_start3A_84 = arith.constant 2048 : i32
    %dma_start3A_85 = tpu.memref_slice %arg10[%dma_start3A_84] : memref<8704xf32, #tpu.memory_space<vmem>> -> memref<512xf32, #tpu.memory_space<vmem>>
    tpu.enqueue_dma source(%dma_start3A_85 : memref<512xf32, #tpu.memory_space<vmem>>) target(%dma_start3A_83 : memref<512xf32, #tpu.memory_space<hbm>>) target_semaphore(%arg11 : memref<!tpu.dma_semaphore, #tpu.memory_space<semaphore_mem>>)
    %add3A_86 = arith.constant 160 : i32
    %add3A_87 = arith.addi %add3A, %add3A_86 : i32
    %mul3A_88 = arith.constant 512 : i32
    %mul3A_89 = arith.muli %add3A_87, %mul3A_88 : i32
    %multiple_of3A_90 = tpu.assume_multiple %mul3A_89, 512 : i32
    %dma_start3A_91 = arith.constant 2560 : i32
    %dma_start3A_92 = tpu.memref_slice %arg10[%dma_start3A_91] : memref<8704xf32, #tpu.memory_space<vmem>> -> memref<512xf32, #tpu.memory_space<vmem>>
    %dma_start3A_93 = tpu.memref_slice %arg5[%multiple_of3A_90] : memref<262144xf32, #tpu.memory_space<hbm>> -> memref<512xf32, #tpu.memory_space<hbm>>
    %dma_start3A_94 = tpu.memref_slice %arg5[%multiple_of3A_90] : memref<262144xf32, #tpu.memory_space<hbm>> -> memref<512xf32, #tpu.memory_space<hbm>>
    %dma_start3A_95 = arith.constant 2560 : i32
    %dma_start3A_96 = tpu.memref_slice %arg10[%dma_start3A_95] : memref<8704xf32, #tpu.memory_space<vmem>> -> memref<512xf32, #tpu.memory_space<vmem>>
    tpu.enqueue_dma source(%dma_start3A_96 : memref<512xf32, #tpu.memory_space<vmem>>) target(%dma_start3A_94 : memref<512xf32, #tpu.memory_space<hbm>>) target_semaphore(%arg11 : memref<!tpu.dma_semaphore, #tpu.memory_space<semaphore_mem>>)
    %add3A_97 = arith.constant 192 : i32
    %add3A_98 = arith.addi %add3A, %add3A_97 : i32
    %mul3A_99 = arith.constant 512 : i32
    %mul3A_100 = arith.muli %add3A_98, %mul3A_99 : i32
    %multiple_of3A_101 = tpu.assume_multiple %mul3A_100, 512 : i32
    %dma_start3A_102 = arith.constant 3072 : i32
    %dma_start3A_103 = tpu.memref_slice %arg10[%dma_start3A_102] : memref<8704xf32, #tpu.memory_space<vmem>> -> memref<512xf32, #tpu.memory_space<vmem>>
    %dma_start3A_104 = tpu.memref_slice %arg5[%multiple_of3A_101] : memref<262144xf32, #tpu.memory_space<hbm>> -> memref<512xf32, #tpu.memory_space<hbm>>
    %dma_start3A_105 = tpu.memref_slice %arg5[%multiple_of3A_101] : memref<262144xf32, #tpu.memory_space<hbm>> -> memref<512xf32, #tpu.memory_space<hbm>>
    %dma_start3A_106 = arith.constant 3072 : i32
    %dma_start3A_107 = tpu.memref_slice %arg10[%dma_start3A_106] : memref<8704xf32, #tpu.memory_space<vmem>> -> memref<512xf32, #tpu.memory_space<vmem>>
    tpu.enqueue_dma source(%dma_start3A_107 : memref<512xf32, #tpu.memory_space<vmem>>) target(%dma_start3A_105 : memref<512xf32, #tpu.memory_space<hbm>>) target_semaphore(%arg11 : memref<!tpu.dma_semaphore, #tpu.memory_space<semaphore_mem>>)
    %add3A_108 = arith.constant 224 : i32
    %add3A_109 = arith.addi %add3A, %add3A_108 : i32
    %mul3A_110 = arith.constant 512 : i32
    %mul3A_111 = arith.muli %add3A_109, %mul3A_110 : i32
    %multiple_of3A_112 = tpu.assume_multiple %mul3A_111, 512 : i32
    %dma_start3A_113 = arith.constant 3584 : i32
    %dma_start3A_114 = tpu.memref_slice %arg10[%dma_start3A_113] : memref<8704xf32, #tpu.memory_space<vmem>> -> memref<512xf32, #tpu.memory_space<vmem>>
    %dma_start3A_115 = tpu.memref_slice %arg5[%multiple_of3A_112] : memref<262144xf32, #tpu.memory_space<hbm>> -> memref<512xf32, #tpu.memory_space<hbm>>
    %dma_start3A_116 = tpu.memref_slice %arg5[%multiple_of3A_112] : memref<262144xf32, #tpu.memory_space<hbm>> -> memref<512xf32, #tpu.memory_space<hbm>>
    %dma_start3A_117 = arith.constant 3584 : i32
    %dma_start3A_118 = tpu.memref_slice %arg10[%dma_start3A_117] : memref<8704xf32, #tpu.memory_space<vmem>> -> memref<512xf32, #tpu.memory_space<vmem>>
    tpu.enqueue_dma source(%dma_start3A_118 : memref<512xf32, #tpu.memory_space<vmem>>) target(%dma_start3A_116 : memref<512xf32, #tpu.memory_space<hbm>>) target_semaphore(%arg11 : memref<!tpu.dma_semaphore, #tpu.memory_space<semaphore_mem>>)
    %add3A_119 = arith.constant 256 : i32
    %add3A_120 = arith.addi %add3A, %add3A_119 : i32
    %mul3A_121 = arith.constant 512 : i32
    %mul3A_122 = arith.muli %add3A_120, %mul3A_121 : i32
    %multiple_of3A_123 = tpu.assume_multiple %mul3A_122, 512 : i32
    %dma_start3A_124 = arith.constant 4096 : i32
    %dma_start3A_125 = tpu.memref_slice %arg10[%dma_start3A_124] : memref<8704xf32, #tpu.memory_space<vmem>> -> memref<512xf32, #tpu.memory_space<vmem>>
    %dma_start3A_126 = tpu.memref_slice %arg5[%multiple_of3A_123] : memref<262144xf32, #tpu.memory_space<hbm>> -> memref<512xf32, #tpu.memory_space<hbm>>
    %dma_start3A_127 = tpu.memref_slice %arg5[%multiple_of3A_123] : memref<262144xf32, #tpu.memory_space<hbm>> -> memref<512xf32, #tpu.memory_space<hbm>>
    %dma_start3A_128 = arith.constant 4096 : i32
    %dma_start3A_129 = tpu.memref_slice %arg10[%dma_start3A_128] : memref<8704xf32, #tpu.memory_space<vmem>> -> memref<512xf32, #tpu.memory_space<vmem>>
    tpu.enqueue_dma source(%dma_start3A_129 : memref<512xf32, #tpu.memory_space<vmem>>) target(%dma_start3A_127 : memref<512xf32, #tpu.memory_space<hbm>>) target_semaphore(%arg11 : memref<!tpu.dma_semaphore, #tpu.memory_space<semaphore_mem>>)
    %add3A_130 = arith.constant 288 : i32
    %add3A_131 = arith.addi %add3A, %add3A_130 : i32
    %mul3A_132 = arith.constant 512 : i32
    %mul3A_133 = arith.muli %add3A_131, %mul3A_132 : i32
    %multiple_of3A_134 = tpu.assume_multiple %mul3A_133, 512 : i32
    %dma_start3A_135 = arith.constant 4608 : i32
    %dma_start3A_136 = tpu.memref_slice %arg10[%dma_start3A_135] : memref<8704xf32, #tpu.memory_space<vmem>> -> memref<512xf32, #tpu.memory_space<vmem>>
    %dma_start3A_137 = tpu.memref_slice %arg5[%multiple_of3A_134] : memref<262144xf32, #tpu.memory_space<hbm>> -> memref<512xf32, #tpu.memory_space<hbm>>
    %dma_start3A_138 = tpu.memref_slice %arg5[%multiple_of3A_134] : memref<262144xf32, #tpu.memory_space<hbm>> -> memref<512xf32, #tpu.memory_space<hbm>>
    %dma_start3A_139 = arith.constant 4608 : i32
    %dma_start3A_140 = tpu.memref_slice %arg10[%dma_start3A_139] : memref<8704xf32, #tpu.memory_space<vmem>> -> memref<512xf32, #tpu.memory_space<vmem>>
    tpu.enqueue_dma source(%dma_start3A_140 : memref<512xf32, #tpu.memory_space<vmem>>) target(%dma_start3A_138 : memref<512xf32, #tpu.memory_space<hbm>>) target_semaphore(%arg11 : memref<!tpu.dma_semaphore, #tpu.memory_space<semaphore_mem>>)
    %add3A_141 = arith.constant 320 : i32
    %add3A_142 = arith.addi %add3A, %add3A_141 : i32
    %mul3A_143 = arith.constant 512 : i32
    %mul3A_144 = arith.muli %add3A_142, %mul3A_143 : i32
    %multiple_of3A_145 = tpu.assume_multiple %mul3A_144, 512 : i32
    %dma_start3A_146 = arith.constant 5120 : i32
    %dma_start3A_147 = tpu.memref_slice %arg10[%dma_start3A_146] : memref<8704xf32, #tpu.memory_space<vmem>> -> memref<512xf32, #tpu.memory_space<vmem>>
    %dma_start3A_148 = tpu.memref_slice %arg5[%multiple_of3A_145] : memref<262144xf32, #tpu.memory_space<hbm>> -> memref<512xf32, #tpu.memory_space<hbm>>
    %dma_start3A_149 = tpu.memref_slice %arg5[%multiple_of3A_145] : memref<262144xf32, #tpu.memory_space<hbm>> -> memref<512xf32, #tpu.memory_space<hbm>>
    %dma_start3A_150 = arith.constant 5120 : i32
    %dma_start3A_151 = tpu.memref_slice %arg10[%dma_start3A_150] : memref<8704xf32, #tpu.memory_space<vmem>> -> memref<512xf32, #tpu.memory_space<vmem>>
    tpu.enqueue_dma source(%dma_start3A_151 : memref<512xf32, #tpu.memory_space<vmem>>) target(%dma_start3A_149 : memref<512xf32, #tpu.memory_space<hbm>>) target_semaphore(%arg11 : memref<!tpu.dma_semaphore, #tpu.memory_space<semaphore_mem>>)
    %add3A_152 = arith.constant 352 : i32
    %add3A_153 = arith.addi %add3A, %add3A_152 : i32
    %mul3A_154 = arith.constant 512 : i32
    %mul3A_155 = arith.muli %add3A_153, %mul3A_154 : i32
    %multiple_of3A_156 = tpu.assume_multiple %mul3A_155, 512 : i32
    %dma_start3A_157 = arith.constant 5632 : i32
    %dma_start3A_158 = tpu.memref_slice %arg10[%dma_start3A_157] : memref<8704xf32, #tpu.memory_space<vmem>> -> memref<512xf32, #tpu.memory_space<vmem>>
    %dma_start3A_159 = tpu.memref_slice %arg5[%multiple_of3A_156] : memref<262144xf32, #tpu.memory_space<hbm>> -> memref<512xf32, #tpu.memory_space<hbm>>
    %dma_start3A_160 = tpu.memref_slice %arg5[%multiple_of3A_156] : memref<262144xf32, #tpu.memory_space<hbm>> -> memref<512xf32, #tpu.memory_space<hbm>>
    %dma_start3A_161 = arith.constant 5632 : i32
    %dma_start3A_162 = tpu.memref_slice %arg10[%dma_start3A_161] : memref<8704xf32, #tpu.memory_space<vmem>> -> memref<512xf32, #tpu.memory_space<vmem>>
    tpu.enqueue_dma source(%dma_start3A_162 : memref<512xf32, #tpu.memory_space<vmem>>) target(%dma_start3A_160 : memref<512xf32, #tpu.memory_space<hbm>>) target_semaphore(%arg11 : memref<!tpu.dma_semaphore, #tpu.memory_space<semaphore_mem>>)
    %add3A_163 = arith.constant 384 : i32
    %add3A_164 = arith.addi %add3A, %add3A_163 : i32
    %mul3A_165 = arith.constant 512 : i32
    %mul3A_166 = arith.muli %add3A_164, %mul3A_165 : i32
    %multiple_of3A_167 = tpu.assume_multiple %mul3A_166, 512 : i32
    %dma_start3A_168 = arith.constant 6144 : i32
    %dma_start3A_169 = tpu.memref_slice %arg10[%dma_start3A_168] : memref<8704xf32, #tpu.memory_space<vmem>> -> memref<512xf32, #tpu.memory_space<vmem>>
    %dma_start3A_170 = tpu.memref_slice %arg5[%multiple_of3A_167] : memref<262144xf32, #tpu.memory_space<hbm>> -> memref<512xf32, #tpu.memory_space<hbm>>
    %dma_start3A_171 = tpu.memref_slice %arg5[%multiple_of3A_167] : memref<262144xf32, #tpu.memory_space<hbm>> -> memref<512xf32, #tpu.memory_space<hbm>>
    %dma_start3A_172 = arith.constant 6144 : i32
    %dma_start3A_173 = tpu.memref_slice %arg10[%dma_start3A_172] : memref<8704xf32, #tpu.memory_space<vmem>> -> memref<512xf32, #tpu.memory_space<vmem>>
    tpu.enqueue_dma source(%dma_start3A_173 : memref<512xf32, #tpu.memory_space<vmem>>) target(%dma_start3A_171 : memref<512xf32, #tpu.memory_space<hbm>>) target_semaphore(%arg11 : memref<!tpu.dma_semaphore, #tpu.memory_space<semaphore_mem>>)
    %add3A_174 = arith.constant 416 : i32
    %add3A_175 = arith.addi %add3A, %add3A_174 : i32
    %mul3A_176 = arith.constant 512 : i32
    %mul3A_177 = arith.muli %add3A_175, %mul3A_176 : i32
    %multiple_of3A_178 = tpu.assume_multiple %mul3A_177, 512 : i32
    %dma_start3A_179 = arith.constant 6656 : i32
    %dma_start3A_180 = tpu.memref_slice %arg10[%dma_start3A_179] : memref<8704xf32, #tpu.memory_space<vmem>> -> memref<512xf32, #tpu.memory_space<vmem>>
    %dma_start3A_181 = tpu.memref_slice %arg5[%multiple_of3A_178] : memref<262144xf32, #tpu.memory_space<hbm>> -> memref<512xf32, #tpu.memory_space<hbm>>
    %dma_start3A_182 = tpu.memref_slice %arg5[%multiple_of3A_178] : memref<262144xf32, #tpu.memory_space<hbm>> -> memref<512xf32, #tpu.memory_space<hbm>>
    %dma_start3A_183 = arith.constant 6656 : i32
    %dma_start3A_184 = tpu.memref_slice %arg10[%dma_start3A_183] : memref<8704xf32, #tpu.memory_space<vmem>> -> memref<512xf32, #tpu.memory_space<vmem>>
    tpu.enqueue_dma source(%dma_start3A_184 : memref<512xf32, #tpu.memory_space<vmem>>) target(%dma_start3A_182 : memref<512xf32, #tpu.memory_space<hbm>>) target_semaphore(%arg11 : memref<!tpu.dma_semaphore, #tpu.memory_space<semaphore_mem>>)
    %add3A_185 = arith.constant 448 : i32
    %add3A_186 = arith.addi %add3A, %add3A_185 : i32
    %mul3A_187 = arith.constant 512 : i32
    %mul3A_188 = arith.muli %add3A_186, %mul3A_187 : i32
    %multiple_of3A_189 = tpu.assume_multiple %mul3A_188, 512 : i32
    %dma_start3A_190 = arith.constant 7168 : i32
    %dma_start3A_191 = tpu.memref_slice %arg10[%dma_start3A_190] : memref<8704xf32, #tpu.memory_space<vmem>> -> memref<512xf32, #tpu.memory_space<vmem>>
    %dma_start3A_192 = tpu.memref_slice %arg5[%multiple_of3A_189] : memref<262144xf32, #tpu.memory_space<hbm>> -> memref<512xf32, #tpu.memory_space<hbm>>
    %dma_start3A_193 = tpu.memref_slice %arg5[%multiple_of3A_189] : memref<262144xf32, #tpu.memory_space<hbm>> -> memref<512xf32, #tpu.memory_space<hbm>>
    %dma_start3A_194 = arith.constant 7168 : i32
    %dma_start3A_195 = tpu.memref_slice %arg10[%dma_start3A_194] : memref<8704xf32, #tpu.memory_space<vmem>> -> memref<512xf32, #tpu.memory_space<vmem>>
    tpu.enqueue_dma source(%dma_start3A_195 : memref<512xf32, #tpu.memory_space<vmem>>) target(%dma_start3A_193 : memref<512xf32, #tpu.memory_space<hbm>>) target_semaphore(%arg11 : memref<!tpu.dma_semaphore, #tpu.memory_space<semaphore_mem>>)
    %add3A_196 = arith.constant 480 : i32
    %add3A_197 = arith.addi %add3A, %add3A_196 : i32
    %mul3A_198 = arith.constant 512 : i32
    %mul3A_199 = arith.muli %add3A_197, %mul3A_198 : i32
    %multiple_of3A_200 = tpu.assume_multiple %mul3A_199, 512 : i32
    %dma_start3A_201 = arith.constant 7680 : i32
    %dma_start3A_202 = tpu.memref_slice %arg10[%dma_start3A_201] : memref<8704xf32, #tpu.memory_space<vmem>> -> memref<512xf32, #tpu.memory_space<vmem>>
    %dma_start3A_203 = tpu.memref_slice %arg5[%multiple_of3A_200] : memref<262144xf32, #tpu.memory_space<hbm>> -> memref<512xf32, #tpu.memory_space<hbm>>
    %dma_start3A_204 = tpu.memref_slice %arg5[%multiple_of3A_200] : memref<262144xf32, #tpu.memory_space<hbm>> -> memref<512xf32, #tpu.memory_space<hbm>>
    %dma_start3A_205 = arith.constant 7680 : i32
    %dma_start3A_206 = tpu.memref_slice %arg10[%dma_start3A_205] : memref<8704xf32, #tpu.memory_space<vmem>> -> memref<512xf32, #tpu.memory_space<vmem>>
    tpu.enqueue_dma source(%dma_start3A_206 : memref<512xf32, #tpu.memory_space<vmem>>) target(%dma_start3A_204 : memref<512xf32, #tpu.memory_space<hbm>>) target_semaphore(%arg11 : memref<!tpu.dma_semaphore, #tpu.memory_space<semaphore_mem>>)
    %dma_wait3A = arith.constant 0 : i32
    %dma_wait3A_207 = tpu.memref_slice %arg10[%dma_wait3A] : memref<8704xf32, #tpu.memory_space<vmem>> -> memref<512xf32, #tpu.memory_space<vmem>>
    %dma_wait3A_208 = tpu.memref_slice %arg5[%multiple_of3A] : memref<262144xf32, #tpu.memory_space<hbm>> -> memref<512xf32, #tpu.memory_space<hbm>>
    %dma_wait3A_209 = tpu.memref_slice %arg5[%multiple_of3A] : memref<262144xf32, #tpu.memory_space<hbm>> -> memref<512xf32, #tpu.memory_space<hbm>>
    %dma_wait3A_210 = arith.constant 0 : i32
    %dma_wait3A_211 = tpu.memref_slice %arg10[%dma_wait3A_210] : memref<8704xf32, #tpu.memory_space<vmem>> -> memref<512xf32, #tpu.memory_space<vmem>>
    tpu.wait_dma2 semaphore(%arg11 : memref<!tpu.dma_semaphore, #tpu.memory_space<semaphore_mem>>) src(%dma_wait3A_211 : memref<512xf32, #tpu.memory_space<vmem>>) dst(%dma_wait3A_209 : memref<512xf32, #tpu.memory_space<hbm>>)
    %dma_wait3A_212 = arith.constant 512 : i32
    %dma_wait3A_213 = tpu.memref_slice %arg10[%dma_wait3A_212] : memref<8704xf32, #tpu.memory_space<vmem>> -> memref<512xf32, #tpu.memory_space<vmem>>
    %dma_wait3A_214 = tpu.memref_slice %arg5[%multiple_of3A_46] : memref<262144xf32, #tpu.memory_space<hbm>> -> memref<512xf32, #tpu.memory_space<hbm>>
    %dma_wait3A_215 = tpu.memref_slice %arg5[%multiple_of3A_46] : memref<262144xf32, #tpu.memory_space<hbm>> -> memref<512xf32, #tpu.memory_space<hbm>>
    %dma_wait3A_216 = arith.constant 512 : i32
    %dma_wait3A_217 = tpu.memref_slice %arg10[%dma_wait3A_216] : memref<8704xf32, #tpu.memory_space<vmem>> -> memref<512xf32, #tpu.memory_space<vmem>>
    tpu.wait_dma2 semaphore(%arg11 : memref<!tpu.dma_semaphore, #tpu.memory_space<semaphore_mem>>) src(%dma_wait3A_217 : memref<512xf32, #tpu.memory_space<vmem>>) dst(%dma_wait3A_215 : memref<512xf32, #tpu.memory_space<hbm>>)
    %dma_wait3A_218 = arith.constant 1024 : i32
    %dma_wait3A_219 = tpu.memref_slice %arg10[%dma_wait3A_218] : memref<8704xf32, #tpu.memory_space<vmem>> -> memref<512xf32, #tpu.memory_space<vmem>>
    %dma_wait3A_220 = tpu.memref_slice %arg5[%multiple_of3A_57] : memref<262144xf32, #tpu.memory_space<hbm>> -> memref<512xf32, #tpu.memory_space<hbm>>
    %dma_wait3A_221 = tpu.memref_slice %arg5[%multiple_of3A_57] : memref<262144xf32, #tpu.memory_space<hbm>> -> memref<512xf32, #tpu.memory_space<hbm>>
    %dma_wait3A_222 = arith.constant 1024 : i32
    %dma_wait3A_223 = tpu.memref_slice %arg10[%dma_wait3A_222] : memref<8704xf32, #tpu.memory_space<vmem>> -> memref<512xf32, #tpu.memory_space<vmem>>
    tpu.wait_dma2 semaphore(%arg11 : memref<!tpu.dma_semaphore, #tpu.memory_space<semaphore_mem>>) src(%dma_wait3A_223 : memref<512xf32, #tpu.memory_space<vmem>>) dst(%dma_wait3A_221 : memref<512xf32, #tpu.memory_space<hbm>>)
    %dma_wait3A_224 = arith.constant 1536 : i32
    %dma_wait3A_225 = tpu.memref_slice %arg10[%dma_wait3A_224] : memref<8704xf32, #tpu.memory_space<vmem>> -> memref<512xf32, #tpu.memory_space<vmem>>
    %dma_wait3A_226 = tpu.memref_slice %arg5[%multiple_of3A_68] : memref<262144xf32, #tpu.memory_space<hbm>> -> memref<512xf32, #tpu.memory_space<hbm>>
    %dma_wait3A_227 = tpu.memref_slice %arg5[%multiple_of3A_68] : memref<262144xf32, #tpu.memory_space<hbm>> -> memref<512xf32, #tpu.memory_space<hbm>>
    %dma_wait3A_228 = arith.constant 1536 : i32
    %dma_wait3A_229 = tpu.memref_slice %arg10[%dma_wait3A_228] : memref<8704xf32, #tpu.memory_space<vmem>> -> memref<512xf32, #tpu.memory_space<vmem>>
    tpu.wait_dma2 semaphore(%arg11 : memref<!tpu.dma_semaphore, #tpu.memory_space<semaphore_mem>>) src(%dma_wait3A_229 : memref<512xf32, #tpu.memory_space<vmem>>) dst(%dma_wait3A_227 : memref<512xf32, #tpu.memory_space<hbm>>)
    %dma_wait3A_230 = arith.constant 2048 : i32
    %dma_wait3A_231 = tpu.memref_slice %arg10[%dma_wait3A_230] : memref<8704xf32, #tpu.memory_space<vmem>> -> memref<512xf32, #tpu.memory_space<vmem>>
    %dma_wait3A_232 = tpu.memref_slice %arg5[%multiple_of3A_79] : memref<262144xf32, #tpu.memory_space<hbm>> -> memref<512xf32, #tpu.memory_space<hbm>>
    %dma_wait3A_233 = tpu.memref_slice %arg5[%multiple_of3A_79] : memref<262144xf32, #tpu.memory_space<hbm>> -> memref<512xf32, #tpu.memory_space<hbm>>
    %dma_wait3A_234 = arith.constant 2048 : i32
    %dma_wait3A_235 = tpu.memref_slice %arg10[%dma_wait3A_234] : memref<8704xf32, #tpu.memory_space<vmem>> -> memref<512xf32, #tpu.memory_space<vmem>>
    tpu.wait_dma2 semaphore(%arg11 : memref<!tpu.dma_semaphore, #tpu.memory_space<semaphore_mem>>) src(%dma_wait3A_235 : memref<512xf32, #tpu.memory_space<vmem>>) dst(%dma_wait3A_233 : memref<512xf32, #tpu.memory_space<hbm>>)
    %dma_wait3A_236 = arith.constant 2560 : i32
    %dma_wait3A_237 = tpu.memref_slice %arg10[%dma_wait3A_236] : memref<8704xf32, #tpu.memory_space<vmem>> -> memref<512xf32, #tpu.memory_space<vmem>>
    %dma_wait3A_238 = tpu.memref_slice %arg5[%multiple_of3A_90] : memref<262144xf32, #tpu.memory_space<hbm>> -> memref<512xf32, #tpu.memory_space<hbm>>
    %dma_wait3A_239 = tpu.memref_slice %arg5[%multiple_of3A_90] : memref<262144xf32, #tpu.memory_space<hbm>> -> memref<512xf32, #tpu.memory_space<hbm>>
    %dma_wait3A_240 = arith.constant 2560 : i32
    %dma_wait3A_241 = tpu.memref_slice %arg10[%dma_wait3A_240] : memref<8704xf32, #tpu.memory_space<vmem>> -> memref<512xf32, #tpu.memory_space<vmem>>
    tpu.wait_dma2 semaphore(%arg11 : memref<!tpu.dma_semaphore, #tpu.memory_space<semaphore_mem>>) src(%dma_wait3A_241 : memref<512xf32, #tpu.memory_space<vmem>>) dst(%dma_wait3A_239 : memref<512xf32, #tpu.memory_space<hbm>>)
    %dma_wait3A_242 = arith.constant 3072 : i32
    %dma_wait3A_243 = tpu.memref_slice %arg10[%dma_wait3A_242] : memref<8704xf32, #tpu.memory_space<vmem>> -> memref<512xf32, #tpu.memory_space<vmem>>
    %dma_wait3A_244 = tpu.memref_slice %arg5[%multiple_of3A_101] : memref<262144xf32, #tpu.memory_space<hbm>> -> memref<512xf32, #tpu.memory_space<hbm>>
    %dma_wait3A_245 = tpu.memref_slice %arg5[%multiple_of3A_101] : memref<262144xf32, #tpu.memory_space<hbm>> -> memref<512xf32, #tpu.memory_space<hbm>>
    %dma_wait3A_246 = arith.constant 3072 : i32
    %dma_wait3A_247 = tpu.memref_slice %arg10[%dma_wait3A_246] : memref<8704xf32, #tpu.memory_space<vmem>> -> memref<512xf32, #tpu.memory_space<vmem>>
    tpu.wait_dma2 semaphore(%arg11 : memref<!tpu.dma_semaphore, #tpu.memory_space<semaphore_mem>>) src(%dma_wait3A_247 : memref<512xf32, #tpu.memory_space<vmem>>) dst(%dma_wait3A_245 : memref<512xf32, #tpu.memory_space<hbm>>)
    %dma_wait3A_248 = arith.constant 3584 : i32
    %dma_wait3A_249 = tpu.memref_slice %arg10[%dma_wait3A_248] : memref<8704xf32, #tpu.memory_space<vmem>> -> memref<512xf32, #tpu.memory_space<vmem>>
    %dma_wait3A_250 = tpu.memref_slice %arg5[%multiple_of3A_112] : memref<262144xf32, #tpu.memory_space<hbm>> -> memref<512xf32, #tpu.memory_space<hbm>>
    %dma_wait3A_251 = tpu.memref_slice %arg5[%multiple_of3A_112] : memref<262144xf32, #tpu.memory_space<hbm>> -> memref<512xf32, #tpu.memory_space<hbm>>
    %dma_wait3A_252 = arith.constant 3584 : i32
    %dma_wait3A_253 = tpu.memref_slice %arg10[%dma_wait3A_252] : memref<8704xf32, #tpu.memory_space<vmem>> -> memref<512xf32, #tpu.memory_space<vmem>>
    tpu.wait_dma2 semaphore(%arg11 : memref<!tpu.dma_semaphore, #tpu.memory_space<semaphore_mem>>) src(%dma_wait3A_253 : memref<512xf32, #tpu.memory_space<vmem>>) dst(%dma_wait3A_251 : memref<512xf32, #tpu.memory_space<hbm>>)
    %dma_wait3A_254 = arith.constant 4096 : i32
    %dma_wait3A_255 = tpu.memref_slice %arg10[%dma_wait3A_254] : memref<8704xf32, #tpu.memory_space<vmem>> -> memref<512xf32, #tpu.memory_space<vmem>>
    %dma_wait3A_256 = tpu.memref_slice %arg5[%multiple_of3A_123] : memref<262144xf32, #tpu.memory_space<hbm>> -> memref<512xf32, #tpu.memory_space<hbm>>
    %dma_wait3A_257 = tpu.memref_slice %arg5[%multiple_of3A_123] : memref<262144xf32, #tpu.memory_space<hbm>> -> memref<512xf32, #tpu.memory_space<hbm>>
    %dma_wait3A_258 = arith.constant 4096 : i32
    %dma_wait3A_259 = tpu.memref_slice %arg10[%dma_wait3A_258] : memref<8704xf32, #tpu.memory_space<vmem>> -> memref<512xf32, #tpu.memory_space<vmem>>
    tpu.wait_dma2 semaphore(%arg11 : memref<!tpu.dma_semaphore, #tpu.memory_space<semaphore_mem>>) src(%dma_wait3A_259 : memref<512xf32, #tpu.memory_space<vmem>>) dst(%dma_wait3A_257 : memref<512xf32, #tpu.memory_space<hbm>>)
    %dma_wait3A_260 = arith.constant 4608 : i32
    %dma_wait3A_261 = tpu.memref_slice %arg10[%dma_wait3A_260] : memref<8704xf32, #tpu.memory_space<vmem>> -> memref<512xf32, #tpu.memory_space<vmem>>
    %dma_wait3A_262 = tpu.memref_slice %arg5[%multiple_of3A_134] : memref<262144xf32, #tpu.memory_space<hbm>> -> memref<512xf32, #tpu.memory_space<hbm>>
    %dma_wait3A_263 = tpu.memref_slice %arg5[%multiple_of3A_134] : memref<262144xf32, #tpu.memory_space<hbm>> -> memref<512xf32, #tpu.memory_space<hbm>>
    %dma_wait3A_264 = arith.constant 4608 : i32
    %dma_wait3A_265 = tpu.memref_slice %arg10[%dma_wait3A_264] : memref<8704xf32, #tpu.memory_space<vmem>> -> memref<512xf32, #tpu.memory_space<vmem>>
    tpu.wait_dma2 semaphore(%arg11 : memref<!tpu.dma_semaphore, #tpu.memory_space<semaphore_mem>>) src(%dma_wait3A_265 : memref<512xf32, #tpu.memory_space<vmem>>) dst(%dma_wait3A_263 : memref<512xf32, #tpu.memory_space<hbm>>)
    %dma_wait3A_266 = arith.constant 5120 : i32
    %dma_wait3A_267 = tpu.memref_slice %arg10[%dma_wait3A_266] : memref<8704xf32, #tpu.memory_space<vmem>> -> memref<512xf32, #tpu.memory_space<vmem>>
    %dma_wait3A_268 = tpu.memref_slice %arg5[%multiple_of3A_145] : memref<262144xf32, #tpu.memory_space<hbm>> -> memref<512xf32, #tpu.memory_space<hbm>>
    %dma_wait3A_269 = tpu.memref_slice %arg5[%multiple_of3A_145] : memref<262144xf32, #tpu.memory_space<hbm>> -> memref<512xf32, #tpu.memory_space<hbm>>
    %dma_wait3A_270 = arith.constant 5120 : i32
    %dma_wait3A_271 = tpu.memref_slice %arg10[%dma_wait3A_270] : memref<8704xf32, #tpu.memory_space<vmem>> -> memref<512xf32, #tpu.memory_space<vmem>>
    tpu.wait_dma2 semaphore(%arg11 : memref<!tpu.dma_semaphore, #tpu.memory_space<semaphore_mem>>) src(%dma_wait3A_271 : memref<512xf32, #tpu.memory_space<vmem>>) dst(%dma_wait3A_269 : memref<512xf32, #tpu.memory_space<hbm>>)
    %dma_wait3A_272 = arith.constant 5632 : i32
    %dma_wait3A_273 = tpu.memref_slice %arg10[%dma_wait3A_272] : memref<8704xf32, #tpu.memory_space<vmem>> -> memref<512xf32, #tpu.memory_space<vmem>>
    %dma_wait3A_274 = tpu.memref_slice %arg5[%multiple_of3A_156] : memref<262144xf32, #tpu.memory_space<hbm>> -> memref<512xf32, #tpu.memory_space<hbm>>
    %dma_wait3A_275 = tpu.memref_slice %arg5[%multiple_of3A_156] : memref<262144xf32, #tpu.memory_space<hbm>> -> memref<512xf32, #tpu.memory_space<hbm>>
    %dma_wait3A_276 = arith.constant 5632 : i32
    %dma_wait3A_277 = tpu.memref_slice %arg10[%dma_wait3A_276] : memref<8704xf32, #tpu.memory_space<vmem>> -> memref<512xf32, #tpu.memory_space<vmem>>
    tpu.wait_dma2 semaphore(%arg11 : memref<!tpu.dma_semaphore, #tpu.memory_space<semaphore_mem>>) src(%dma_wait3A_277 : memref<512xf32, #tpu.memory_space<vmem>>) dst(%dma_wait3A_275 : memref<512xf32, #tpu.memory_space<hbm>>)
    %dma_wait3A_278 = arith.constant 6144 : i32
    %dma_wait3A_279 = tpu.memref_slice %arg10[%dma_wait3A_278] : memref<8704xf32, #tpu.memory_space<vmem>> -> memref<512xf32, #tpu.memory_space<vmem>>
    %dma_wait3A_280 = tpu.memref_slice %arg5[%multiple_of3A_167] : memref<262144xf32, #tpu.memory_space<hbm>> -> memref<512xf32, #tpu.memory_space<hbm>>
    %dma_wait3A_281 = tpu.memref_slice %arg5[%multiple_of3A_167] : memref<262144xf32, #tpu.memory_space<hbm>> -> memref<512xf32, #tpu.memory_space<hbm>>
    %dma_wait3A_282 = arith.constant 6144 : i32
    %dma_wait3A_283 = tpu.memref_slice %arg10[%dma_wait3A_282] : memref<8704xf32, #tpu.memory_space<vmem>> -> memref<512xf32, #tpu.memory_space<vmem>>
    tpu.wait_dma2 semaphore(%arg11 : memref<!tpu.dma_semaphore, #tpu.memory_space<semaphore_mem>>) src(%dma_wait3A_283 : memref<512xf32, #tpu.memory_space<vmem>>) dst(%dma_wait3A_281 : memref<512xf32, #tpu.memory_space<hbm>>)
    %dma_wait3A_284 = arith.constant 6656 : i32
    %dma_wait3A_285 = tpu.memref_slice %arg10[%dma_wait3A_284] : memref<8704xf32, #tpu.memory_space<vmem>> -> memref<512xf32, #tpu.memory_space<vmem>>
    %dma_wait3A_286 = tpu.memref_slice %arg5[%multiple_of3A_178] : memref<262144xf32, #tpu.memory_space<hbm>> -> memref<512xf32, #tpu.memory_space<hbm>>
    %dma_wait3A_287 = tpu.memref_slice %arg5[%multiple_of3A_178] : memref<262144xf32, #tpu.memory_space<hbm>> -> memref<512xf32, #tpu.memory_space<hbm>>
    %dma_wait3A_288 = arith.constant 6656 : i32
    %dma_wait3A_289 = tpu.memref_slice %arg10[%dma_wait3A_288] : memref<8704xf32, #tpu.memory_space<vmem>> -> memref<512xf32, #tpu.memory_space<vmem>>
    tpu.wait_dma2 semaphore(%arg11 : memref<!tpu.dma_semaphore, #tpu.memory_space<semaphore_mem>>) src(%dma_wait3A_289 : memref<512xf32, #tpu.memory_space<vmem>>) dst(%dma_wait3A_287 : memref<512xf32, #tpu.memory_space<hbm>>)
    %dma_wait3A_290 = arith.constant 7168 : i32
    %dma_wait3A_291 = tpu.memref_slice %arg10[%dma_wait3A_290] : memref<8704xf32, #tpu.memory_space<vmem>> -> memref<512xf32, #tpu.memory_space<vmem>>
    %dma_wait3A_292 = tpu.memref_slice %arg5[%multiple_of3A_189] : memref<262144xf32, #tpu.memory_space<hbm>> -> memref<512xf32, #tpu.memory_space<hbm>>
    %dma_wait3A_293 = tpu.memref_slice %arg5[%multiple_of3A_189] : memref<262144xf32, #tpu.memory_space<hbm>> -> memref<512xf32, #tpu.memory_space<hbm>>
    %dma_wait3A_294 = arith.constant 7168 : i32
    %dma_wait3A_295 = tpu.memref_slice %arg10[%dma_wait3A_294] : memref<8704xf32, #tpu.memory_space<vmem>> -> memref<512xf32, #tpu.memory_space<vmem>>
    tpu.wait_dma2 semaphore(%arg11 : memref<!tpu.dma_semaphore, #tpu.memory_space<semaphore_mem>>) src(%dma_wait3A_295 : memref<512xf32, #tpu.memory_space<vmem>>) dst(%dma_wait3A_293 : memref<512xf32, #tpu.memory_space<hbm>>)
    %dma_wait3A_296 = arith.constant 7680 : i32
    %dma_wait3A_297 = tpu.memref_slice %arg10[%dma_wait3A_296] : memref<8704xf32, #tpu.memory_space<vmem>> -> memref<512xf32, #tpu.memory_space<vmem>>
    %dma_wait3A_298 = tpu.memref_slice %arg5[%multiple_of3A_200] : memref<262144xf32, #tpu.memory_space<hbm>> -> memref<512xf32, #tpu.memory_space<hbm>>
    %dma_wait3A_299 = tpu.memref_slice %arg5[%multiple_of3A_200] : memref<262144xf32, #tpu.memory_space<hbm>> -> memref<512xf32, #tpu.memory_space<hbm>>
    %dma_wait3A_300 = arith.constant 7680 : i32
    %dma_wait3A_301 = tpu.memref_slice %arg10[%dma_wait3A_300] : memref<8704xf32, #tpu.memory_space<vmem>> -> memref<512xf32, #tpu.memory_space<vmem>>
    tpu.wait_dma2 semaphore(%arg11 : memref<!tpu.dma_semaphore, #tpu.memory_space<semaphore_mem>>) src(%dma_wait3A_301 : memref<512xf32, #tpu.memory_space<vmem>>) dst(%dma_wait3A_299 : memref<512xf32, #tpu.memory_space<hbm>>)
    return
  }
}

</mosaic_0001>

<sc_bundles>
// kernel: _render.3.cloned.1.call-start
scs
__scs_entry_jumppad:
0x0: {  	(pc) =	sbr.rel $0x88, $3  }
0x1: {  	(tag) =	ssettag $0x0;
	lr =	simm.s32 $0x1  }
0x2: {  	[smem:$0x3F9F] =	sst lr;
	_ =	strace $0xD0000000  }
0x3: {  	_ = 	snop  }
0x4: {  	_ = 	snop  }
0x5: {  	_ = 	snop  }
0x6: {  	_ = 	snop  }
0x7: {  	_ = 	snop  }
__scs_overlays_trampoline_lowered:
0x8: {  	[smem:$0x3FAE] =	sst s0  }
0x9: {  	[smem:$0x3FAF] =	sst s1  }
0xa: {  	[smem:$0x3FB0] =	sst s2  }
0xb: {  	[smem:$0x3FB1] =	sst s3  }
0xc: {  	[smem:$0x3FB2] =	sst s4  }
0xd: {  	[smem:$0x3FB3] =	sst s5  }
0xe: {  	[smem:$0x3FB4] =	sst s6  }
0xf: {  	[smem:$0x3FB5] =	sst s7  }
0x10: {  	[smem:$0x3FB6] =	sst s8  }
0x11: {  	[smem:$0x3FB7] =	sst s9;
	s0 =	simm.s32 @!p0 $0x0  }
0x12: {  	s1 =	sld [smem:$0x3F9D];
	s0 =	simm.s32 @p0 $0x1  }
0x13: {  	[smem:$0x3FB8] =	sst s0;
	s0 =	simm.s32 @!p1 $0x0  }
0x14: {  	s2 =	sld [smem:$0x3F9C];
	s0 =	simm.s32 @p1 $0x1  }
0x15: {  	[smem:$0x3FB9] =	sst s0;
	s0 =	simm.s32 @!p2 $0x0  }
0x16: {  	s3 =	sld [smem:$0x3FDB];
	s0 =	simm.s32 @p2 $0x1  }
0x17: {  	s4 =	simm.s32 $0x1BF5;
	[smem:$0x3FBB] =	sst s0  }
0x18: {  	s0 =	sld [smem:$0x3F9E];
	_ =	swait.ge [sflag:s4], $0x0  }
0x19: {  	s7 =	sld [smem:$0x3F9F]  }
0x1a: {  	s8 =	sadd.s32 $0xFFFFE003, lr  }
0x1b: {  	s9 =	sadd.s32 $0xFFFFFEF7, lr;
	s5 =	simm.s32 $0xFFFFFFFF;
	p2 =	slt.u32 s8, $0xFFFFF086  }
0x1c: {  	p1 =	slt.u32 s9, $0xF7A;
	s5 =	simm.s32 @!p2 $0x0  }
0x1d: {  	s5 =	simm.s32 @p1 $0x1;
	p0 =	seq.s32 s7, s2  }
0x1e: {  	s7 =	smul.u32 @!p0 $0xF7A, s2;
	p2 =	seq.s32 @!p0 s5, $0x0  }
0x1f: {  	s9 =	smul.u32 $0xF7A, s1;
	s8 =	simm.s32 @!p0 $0x1BF5;
	p2 =	por !p2, p0  }
0x20: {  	[sflag:s8] =	ssyncset.s32 @!p0 $0xFFFFF086;
	s6 =	sadd.s32 @!p0 s3, s7;
	s7 =	simm.s32 @!p0 $0x108  }
0x21: {  	s3 =	sadd.s32 s3, s9;
	s6 =	sadd.s32 @!p0 $0x88, s6;
	s7 =	simm.s32 @p2 $0x1082  }
0x22: {  	[simem:s7], [sflag:s8] =	dma.local @!p0 [hbm:s6], $0xF7A  }
0x23: {  	s9 =	sor.u32 $0xD0000000, s2;
	s6 =	simm.s32 $0x108;
	_ =	swait.ge @!p0 [sflag:s8], $0x0  }
0x24: {  	s3 =	sadd.s32 $0x88, s3;
	s6 =	simm.s32 @!p1 $0x1082;
	[sflag:s4] =	ssyncset.s32 $0xFFFFF086  }
0x25: {  	[simem:s6], [sflag:s4] =	dma.local [hbm:s3], $0xF7A  }
0x26: {  	[smem:$0x3F9F] =	sst s1;
	(tag) =	ssettag s2;
	_ =	strace s9  }
0x27: {  	s1 =	sld [smem:$0x3FAF]  }
0x28: {  	s2 =	sld [smem:$0x3FB0]  }
0x29: {  	s4 =	sld [smem:$0x3FB2]  }
0x2a: {  	p0 =	seq.s32 s5, $0x0;
	s5 =	sld [smem:$0x3FB3]  }
0x2b: {  	s6 =	sld [smem:$0x3FB4]  }
0x2c: {  	s7 =	sld [smem:$0x3FB5]  }
0x2d: {  	s3 =	simm.s32 $0x108;
	s8 =	sld [smem:$0x3FB6]  }
0x2e: {  	s3 =	simm.s32 @!p0 $0x1082;
	s9 =	sld [smem:$0x3FB7]  }
0x2f: {  	lr =	sadd.s32 s0, s3;
	s0 =	sld [smem:$0x3FAE]  }
0x30: {  	s3 =	sld [smem:$0x3FB1]  }
0x31: {  	[smem:$0x3FBA] =	sst s10  }
0x32: {  	s10 =	sld [smem:$0x3FB8];
	_ =	sdelay $0x3  }
0x33: {  	p0 =	seq.s32 s10, $0x1;
	s10 =	sld [smem:$0x3FBA];
	_ =	sdelay $0x3  }
0x34: {  	[smem:$0x3FBA] =	sst s10  }
0x35: {  	s10 =	sld [smem:$0x3FB9];
	_ =	sdelay $0x3  }
0x36: {  	p1 =	seq.s32 s10, $0x1;
	s10 =	sld [smem:$0x3FBA];
	_ =	sdelay $0x3  }
0x37: {  	[smem:$0x3FBA] =	sst s10  }
0x38: {  	s10 =	sld [smem:$0x3FBB]  }
0x39: {  	_ = 	snop;
	(pc) =	sbr.ind lr, $3  }
0x3a: {  	_ = 	snop  }
0x3b: {  	_ = 	snop  }
0x3c: {  	p2 =	seq.s32 s10, $0x1;
	s10 =	sld [smem:$0x3FBA]  }
0x3d: {  	_ =	shalt  }
0x3e: {  	_ =	shalt  }
0x3f: {  	_ =	shalt  }
0x40: {  	_ =	shalt  }
0x41: {  	_ =	shalt  }
0x42: {  	_ =	shalt  }
0x43: {  	_ =	shalt  }
0x44: {  	_ =	shalt  }
0x45: {  	_ =	shalt  }
0x46: {  	_ =	shalt  }
0x47: {  	_ =	shalt  }
0x48: {  	_ =	shalt  }
0x49: {  	_ =	shalt  }
0x4a: {  	_ =	shalt  }
0x4b: {  	_ =	shalt  }
0x4c: {  	_ =	shalt  }
0x4d: {  	_ =	shalt  }
0x4e: {  	_ =	shalt  }
0x4f: {  	_ =	shalt  }
0x50: {  	_ =	shalt  }
0x51: {  	_ =	shalt  }
0x52: {  	_ =	shalt  }
0x53: {  	_ =	shalt  }
0x54: {  	_ =	shalt  }
0x55: {  	_ =	shalt  }
0x56: {  	_ =	shalt  }
0x57: {  	_ =	shalt  }
0x58: {  	_ =	shalt  }
0x59: {  	_ =	shalt  }
0x5a: {  	_ =	shalt  }
0x5b: {  	_ =	shalt  }
0x5c: {  	_ =	shalt  }
0x5d: {  	_ =	shalt  }
0x5e: {  	_ =	shalt  }
0x5f: {  	_ =	shalt  }
0x60: {  	_ =	shalt  }
0x61: {  	_ =	shalt  }
0x62: {  	_ =	shalt  }
0x63: {  	_ =	shalt  }
0x64: {  	_ =	shalt  }
0x65: {  	_ =	shalt  }
0x66: {  	_ =	shalt  }
0x67: {  	_ =	shalt  }
0x68: {  	_ =	shalt  }
0x69: {  	_ =	shalt  }
0x6a: {  	_ =	shalt  }
0x6b: {  	_ =	shalt  }
0x6c: {  	_ =	shalt  }
0x6d: {  	_ =	shalt  }
0x6e: {  	_ =	shalt  }
0x6f: {  	_ =	shalt  }
0x70: {  	_ =	shalt  }
0x71: {  	_ =	shalt  }
0x72: {  	_ =	shalt  }
0x73: {  	_ =	shalt  }
0x74: {  	_ =	shalt  }
0x75: {  	_ =	shalt  }
0x76: {  	_ =	shalt  }
0x77: {  	_ =	shalt  }
0x78: {  	_ =	shalt  }
0x79: {  	_ =	shalt  }
0x7a: {  	_ =	shalt  }
0x7b: {  	_ =	shalt  }
0x7c: {  	_ =	shalt  }
0x7d: {  	_ =	shalt  }
0x7e: {  	_ =	shalt  }
0x7f: {  	_ =	shalt  }
0x80: {  	_ =	shalt  }
0x81: {  	_ =	shalt  }
0x82: {  	_ =	shalt  }
0x83: {  	_ =	shalt  }
0x84: {  	_ =	shalt  }
0x85: {  	_ =	shalt  }
0x86: {  	_ =	shalt  }
0x87: {  	_ =	shalt  }
.Lfunc_end0:
.L_simem_size_0:
called_computation_lowered:
.L_overlay_start_0:
0x88: {  	s2 =	sld [smem:$0x3FD9]  }
0x89: {  	s3 =	sld [smem:$0x3FFE];
	_ =	sdelay $0x1  }
0x8a: {  	s1 =	srdreg.scid  }
0x8b: {  	s0 =	sand.u32 $0x1, s1  }
0x8c: {  	s17 =	sshll.u32 s0, $0xA;
	s2 =	sadd.s32 s3, s2  }
0x8d: {  	s2 =	sadd.s32 s2, s17  }
0x8e: {  	[smem:$0x3FC6] =	sst s2  }
0x8f: {  	_ = 	snop  }
0x90: {  	s2 =	sld [smem:$0x3FC9]  }
0x91: {  	s18 =	sld [smem:$0x3FC8]  }
0x92: {  	s4 =	sld [smem:$0x3FD0];
	(tm) =	ssettm $0x1  }
0x93: {  	s5 =	sld [smem:$0x3FFB];
	_ =	sdelay $0x3  }
0x94: {  	_ =	strace s5  }
0x95: {  	s5 =	sld [smem:$0x3FFC];
	_ =	sdelay $0x3  }
0x96: {  	_ =	strace s5  }
0x97: {  	s5 =	sld [smem:$0x3FFD];
	_ =	sdelay $0x3  }
0x98: {  	_ =	strace s5  }
0x99: {  	_ =	strace $0x8FFFFFFF  }
0x9a: {  	s19 =	sld [smem:$0x3FDB];
	_ =	sdelay $0x1  }
0x9b: {  	s6 =	simm.s32 $_scs_section_size  }
0x9c: {  	s7 =	simm.s32 $_size__tile_overlayer_lowered;
	s8 =	simm.s32 $_tile_overlayer_lowered  }
0x9d: {  	s22 =	simm.s32 $0x1BFF;
	s21 =	sshll.u32 s8, $0x1;
	s5 =	sadd.s32 s6, s19  }
0x9e: {  	s9 =	simm.s32 $0x0;
	s20 =	sshll.u32 s7, $0x1;
	s7 =	sadd.s32 s21, s5  }
0x9f: {  	[timem:s9], [sflag:s22] =	dma.local [hbm:s7], s20  }
0xa0: {  	_ =	swait.ge [sflag:s22], s20  }
0xa1: {  	s6 =	ssub.s32 $0x0, s20;
	[sflag:s22] =	ssyncset.done $0x0  }
0xa2: {  	[sflag:s22] =	ssyncadd.s32 s6;
	_ =	sdelay $0x1  }
0xa3: {  	s23 =	simm.s32 $0x1B8B  }
0xa4: {  	_ =	swait.ge [sflag:s23], $0x1  }
0xa5: {  	[sflag:s23] =	ssyncset.done $0x0  }
0xa6: {  	s25 =	simm.s32 $0x1B8E;
	s24 =	sld [smem:$0x3FFE];
	[sflag:s23] =	ssyncadd.s32 $0xFFFFFFFF  }
0xa7: {  	s26 =	simm.s32 $execute0_lowered;
	[smem:$0x3FD2] =	sst s25  }
0xa8: {  	s7 =	sshll.u32 s26, $0x1;
	_ =	strace $0x80000046;
	[dreg:$0x1] =	wrdreg $0xFFFFFFFF  }
0xa9: {  	s28 =	simm.s32 $_size_execute0_lowered;
	s5 =	sadd.s32 s5, s7;
	[dreg:$0x0] =	wrdreg $0x0  }
0xaa: {  	s7 =	sshll.u32 s28, $0x1;
	[dreg:$0x2] =	wrdreg s5  }
0xab: {  	[dreg:$0x3] =	wrdreg s7  }
0xac: {  	[dreg:$0x4] =	wrdreg $0xC0  }
0xad: {  	_ =	task [dreg:s9], $0x5FFFF  }
0xae: {  	[dreg:$0x1] =	wrdreg $0xFFFFFFFF  }
0xaf: {  	[dreg:$0x0] =	wrdreg $0x60  }
0xb0: {  	[dreg:$0x2] =	wrdreg s2  }
0xb1: {  	[dreg:$0x3] =	wrdreg s18  }
0xb2: {  	[dreg:$0x4] =	wrdreg s24  }
0xb3: {  	[dreg:$0x5] =	wrdreg s4  }
0xb4: {  	[dreg:$0x6] =	wrdreg $0x9  }
0xb5: {  	_ =	task.clear_ibuf [dreg:s9], $0x7FFFF;
	_ =	strace $0x90000046  }
0xb6: {  	s29 =	simm.s32 $0x9;
	_ =	strace $0x80000048  }
0xb7: {  	_ =	swait.ge [sflag:s29], $0x1  }
0xb8: {  	[sflag:s29] =	ssyncadd.s32 $0xFFFFFFFF  }
0xb9: {  	_ =	strace $0x90000048  }
0xba: {  	_ =	sfence  }
0xbb: {  	s30 =	sld [smem:$0x0];
	_ =	sdelay $0x2  }
0xbc: {  	s31 =	sshll.u32 s1, $0xD;
	s1 =	sshrl.u32 s1, $0x2  }
0xbd: {  	s3 =	sand.u32 $0x4000, s31;
	s1 =	sadd.s32 s1, s30  }
0xbe: {  	s0 =	sor.u32 s3, s0;
	s1 =	sshll.u32 s1, $0x11  }
0xbf: {  	s0 =	sor.u32 s1, s0  }
0xc0: {  	s0 =	sadd.s32 $0x8F2B, s0  }
0xc1: {  	[sflag:s0] =	ssyncadd.remote.s32 $0x1  }
0xc2: {  	_ =	sfence.sel $0xFFFF  }
0xc3: {  	[dreg:$0x0] =	wrdreg $0xFFFFFFFF;
	(pc) =	sbr.abs _section_cstart, $3  }
0xc4: {  	[dreg:$0x1] =	wrdreg $0xFFFFFFFF  }
0xc5: {  	_ =	task.clear_ibuf [dreg:s9], $0x2FFFF;
	_ =	strace $0x9FFFFFFF  }
0xc6: {  	(tm) =	ssettm $0x7FFFFFFF  }
0xc7: {  	_ =	shalt  }
tec
execute0_lowered:
.L_overlay_start_1:
0x0: {  	(tag) =	ssettag $0x1  }
0x1: {  	s0 =	rddreg [dreg:$0x2];
	s1 =	srdreg.scid  }
0x2: {  	s3 =	stileid.u32;
	s2 =	rddreg [dreg:$0x3]  }
0x3: {  	s4 =	simm.s32 $0x0;
	s1 =	sand.u32 $0x1, s1;
	s3 =	sshll.u32 s3, $0x1  }
0x4: {  	s28 =	simm.s32 $0x0;
	[smem:$0x7FF] =	sst s4;
	s3 =	sor.u32 s1, s3  }
0x5: {  	s0 =	sadd.s32 $0x400, s0;
	s1 =	ssub.s32 $0x2, s1;
	s5 =	sshll.u32 s3, $0x6  }
0x6: {  	_ =	strace $0x80000047;
	s6 =	sshrl.u32 s1, $0x1;
	s5 =	sadd.s32 s2, s5  }
0x7: {  	[dreg:$0x5] =	wrdreg s0;
	s22 =	ssub.s32 s1, s6;
	s23 =	sadd.s32 $0x800, s5  }
0x8: {  	s24 =	sadd.s32 $0x1000, s5;
	s25 =	sadd.s32 $0x1800, s5;
	s26 =	sadd.s32 $0x2000, s5  }
0x9: {  	s29 =	sadd.s32 $0x2800, s5;
	s30 =	sadd.s32 $0x3000, s5;
	[dreg:$0x6] =	wrdreg s23  }
0xa: {  	s31 =	sadd.s32 $0x3800, s5;
	s14 =	sadd.s32 $0x4000, s5;
	[dreg:$0x7] =	wrdreg s24  }
0xb: {  	s15 =	sadd.s32 $0x4800, s5;
	s16 =	sadd.s32 $0x5000, s5;
	[dreg:$0x8] =	wrdreg s25  }
.Ltmp0:
0xc: {  	s17 =	sadd.s32 $0x5800, s5;
	[dreg:$0x9] =	wrdreg s26;
	(pc) =	sbr.rel .LBB2_1-.Ltmp0, $4  }
0xd: {  	s18 =	sadd.s32 $0x6000, s5;
	s19 =	sadd.s32 $0x6800, s5;
	[dreg:$0xa] =	wrdreg s29  }
0xe: {  	s20 =	sadd.s32 $0x7000, s5;
	s21 =	sadd.s32 $0x7800, s5;
	[dreg:$0xb] =	wrdreg s30  }
0xf: {  	v1 =	vimm.f32 $0.0e+00;
	v2 =	vlaneseq.u32;
	v4 =	vimm.s32 $0x0;
	s22 =	smax.u32 s22, $0x1;
	[dreg:$0xc] =	wrdreg s31;
	s23 =	simm.s32 $0x800  }
0x10: {  	v3 =	vor.u32 $0x2000, v2;
	v5 =	vmul.u32 $0x20, v2;
	v0 =	vmov s3;
	s24 =	simm.s32 $0x1800;
	s25 =	simm.s32 $0x1;
	s26 =	simm.s32 $0x5800  }
.LBB2_25:
0x11: {  	s0 =	simm.s32 $0x7880  }
0x12: {  	[hbm4b:s5+s4] =	stream.linear.scatter [tilespmem:s0], [sflag:$0x1], $0x200, $0x38;
	[tilespmem:$0x9A80] =	vst v63  }
0x13: {  	s10 =	rddreg [dreg:$0x6];
	s1 =	simm.s32 $0x7A80  }
0x14: {  	[hbm4b:s10+s4] =	stream.linear.scatter [tilespmem:s1], [sflag:$0x1], $0x200, $0x38;
	[tilespmem:$0x9A80] =	vst v63  }
0x15: {  	s11 =	rddreg [dreg:$0x7];
	s12 =	simm.s32 $0x7C80  }
0x16: {  	[hbm4b:s11+s4] =	stream.linear.scatter [tilespmem:s12], [sflag:$0x1], $0x200, $0x38;
	[tilespmem:$0x9A80] =	vst v63  }
0x17: {  	s13 =	rddreg [dreg:$0x8];
	s29 =	simm.s32 $0x7E80  }
0x18: {  	[hbm4b:s13+s4] =	stream.linear.scatter [tilespmem:s29], [sflag:$0x1], $0x200, $0x38;
	[tilespmem:$0x9A80] =	vst v63  }
0x19: {  	s30 =	rddreg [dreg:$0x9];
	s31 =	simm.s32 $0x8080  }
0x1a: {  	[hbm4b:s30+s4] =	stream.linear.scatter [tilespmem:s31], [sflag:$0x1], $0x200, $0x38;
	[tilespmem:$0x9A80] =	vst v63  }
0x1b: {  	s2 =	simm.s32 $0x8280;
	s1 =	rddreg [dreg:$0xa]  }
0x1c: {  	[hbm4b:s1+s4] =	stream.linear.scatter [tilespmem:s2], [sflag:$0x1], $0x200, $0x38;
	[tilespmem:$0x9A80] =	vst v63  }
0x1d: {  	s3 =	rddreg [dreg:$0xb];
	s6 =	simm.s32 $0x8480  }
0x1e: {  	[hbm4b:s3+s4] =	stream.linear.scatter [tilespmem:s6], [sflag:$0x1], $0x200, $0x38;
	[tilespmem:$0x9A80] =	vst v63  }
0x1f: {  	s7 =	rddreg [dreg:$0xc];
	s8 =	simm.s32 $0x8680  }
0x20: {  	[hbm4b:s7+s4] =	stream.linear.scatter [tilespmem:s8], [sflag:$0x1], $0x200, $0x38;
	[tilespmem:$0x9A80] =	vst v63  }
0x21: {  	s9 =	simm.s32 $0x8880  }
0x22: {  	[hbm4b:s14+s4] =	stream.linear.scatter [tilespmem:s9], [sflag:$0x1], $0x200, $0x38;
	[tilespmem:$0x9A80] =	vst v63  }
0x23: {  	s10 =	simm.s32 $0x8A80  }
0x24: {  	[hbm4b:s15+s4] =	stream.linear.scatter [tilespmem:s10], [sflag:$0x1], $0x200, $0x38;
	[tilespmem:$0x9A80] =	vst v63  }
0x25: {  	s11 =	simm.s32 $0x8C80  }
0x26: {  	[hbm4b:s16+s4] =	stream.linear.scatter [tilespmem:s11], [sflag:$0x1], $0x200, $0x38;
	[tilespmem:$0x9A80] =	vst v63  }
0x27: {  	s12 =	simm.s32 $0x8E80  }
0x28: {  	[hbm4b:s17+s4] =	stream.linear.scatter [tilespmem:s12], [sflag:$0x1], $0x200, $0x38;
	[tilespmem:$0x9A80] =	vst v63  }
0x29: {  	s13 =	simm.s32 $0x9080  }
0x2a: {  	[hbm4b:s18+s4] =	stream.linear.scatter [tilespmem:s13], [sflag:$0x1], $0x200, $0x38;
	[tilespmem:$0x9A80] =	vst v63  }
0x2b: {  	s29 =	simm.s32 $0x9280  }
0x2c: {  	[hbm4b:s19+s4] =	stream.linear.scatter [tilespmem:s29], [sflag:$0x1], $0x200, $0x38;
	[tilespmem:$0x9A80] =	vst v63  }
0x2d: {  	s30 =	simm.s32 $0x9480  }
0x2e: {  	[hbm4b:s20+s4] =	stream.linear.scatter [tilespmem:s30], [sflag:$0x1], $0x200, $0x38;
	[tilespmem:$0x9A80] =	vst v63  }
0x2f: {  	s31 =	simm.s32 $0x9680  }
0x30: {  	[hbm4b:s21+s4] =	stream.linear.scatter [tilespmem:s31], [sflag:$0x1], $0x200, $0x38;
	[tilespmem:$0x9A80] =	vst v63  }
0x31: {  	_ =	swait.ge [sflag:s25], $0x200  }
0x32: {  	[sflag:s25] =	ssyncset.done $0x0  }
0x33: {  	[sflag:s25] =	ssyncadd.s32 $0xFFFFFE00  }
0x34: {  	_ =	swait.ge [sflag:s25], $0x200  }
0x35: {  	[sflag:s25] =	ssyncset.done $0x0  }
0x36: {  	[sflag:s25] =	ssyncadd.s32 $0xFFFFFE00  }
0x37: {  	_ =	swait.ge [sflag:s25], $0x200  }
0x38: {  	[sflag:s25] =	ssyncset.done $0x0  }
0x39: {  	[sflag:s25] =	ssyncadd.s32 $0xFFFFFE00  }
0x3a: {  	_ =	swait.ge [sflag:s25], $0x200  }
0x3b: {  	[sflag:s25] =	ssyncset.done $0x0  }
0x3c: {  	[sflag:s25] =	ssyncadd.s32 $0xFFFFFE00  }
0x3d: {  	_ =	swait.ge [sflag:s25], $0x200  }
0x3e: {  	[sflag:s25] =	ssyncset.done $0x0  }
0x3f: {  	[sflag:s25] =	ssyncadd.s32 $0xFFFFFE00  }
0x40: {  	_ =	swait.ge [sflag:s25], $0x200  }
0x41: {  	[sflag:s25] =	ssyncset.done $0x0  }
0x42: {  	[sflag:s25] =	ssyncadd.s32 $0xFFFFFE00  }
0x43: {  	_ =	swait.ge [sflag:s25], $0x200  }
0x44: {  	[sflag:s25] =	ssyncset.done $0x0  }
0x45: {  	[sflag:s25] =	ssyncadd.s32 $0xFFFFFE00  }
0x46: {  	_ =	swait.ge [sflag:s25], $0x200  }
0x47: {  	[sflag:s25] =	ssyncset.done $0x0  }
0x48: {  	[sflag:s25] =	ssyncadd.s32 $0xFFFFFE00  }
0x49: {  	_ =	swait.ge [sflag:s25], $0x200  }
0x4a: {  	[sflag:s25] =	ssyncset.done $0x0  }
0x4b: {  	[sflag:s25] =	ssyncadd.s32 $0xFFFFFE00  }
0x4c: {  	_ =	swait.ge [sflag:s25], $0x200  }
0x4d: {  	[sflag:s25] =	ssyncset.done $0x0  }
0x4e: {  	[sflag:s25] =	ssyncadd.s32 $0xFFFFFE00  }
0x4f: {  	_ =	swait.ge [sflag:s25], $0x200  }
0x50: {  	[sflag:s25] =	ssyncset.done $0x0  }
0x51: {  	[sflag:s25] =	ssyncadd.s32 $0xFFFFFE00  }
0x52: {  	_ =	swait.ge [sflag:s25], $0x200  }
0x53: {  	[sflag:s25] =	ssyncset.done $0x0  }
0x54: {  	[sflag:s25] =	ssyncadd.s32 $0xFFFFFE00  }
0x55: {  	_ =	swait.ge [sflag:s25], $0x200  }
0x56: {  	[sflag:s25] =	ssyncset.done $0x0  }
0x57: {  	[sflag:s25] =	ssyncadd.s32 $0xFFFFFE00  }
0x58: {  	_ =	swait.ge [sflag:s25], $0x200  }
0x59: {  	[sflag:s25] =	ssyncset.done $0x0  }
0x5a: {  	s28 =	sadd.s32 $0x1, s28;
	[sflag:s25] =	ssyncadd.s32 $0xFFFFFE00  }
0x5b: {  	p0 =	sne.s32 s28, s22;
	_ =	swait.ge [sflag:s25], $0x200  }
.Ltmp1:
0x5c: {  	[sflag:s25] =	ssyncset.done $0x0;
	(pc) =	sbr.rel @!p0 .LBB2_26-.Ltmp1, $4  }
0x5d: {  	[sflag:s25] =	ssyncadd.s32 $0xFFFFFE00  }
0x5e: {  	_ =	swait.ge [sflag:s25], $0x200  }
0x5f: {  	[sflag:s25] =	ssyncset.done $0x0  }
0x60: {  	[sflag:s25] =	ssyncadd.s32 $0xFFFFFE00  }
.LBB2_1:
0x61: {  	s0 =	rddreg [dreg:$0x0]  }
0x62: {  	[tilespmem:s4], [sflag:$0x1] =	stream.linear.gather [hbm4b:s0+s4], $0x800, $0x38;
	[tilespmem:$0x9A80] =	vst v63  }
0x63: {  	s30 =	rddreg [dreg:$0x1]  }
0x64: {  	[tilespmem:s23], [sflag:$0x1] =	stream.linear.gather [hbm4b:s30+s4], $0x1000, $0x38;
	[tilespmem:$0x9A80] =	vst v63  }
0x65: {  	s31 =	rddreg [dreg:$0x5];
	s1 =	simm.s32 $0x100;
	s0 =	simm.s32 $0x0  }
0x66: {  	[tilespmem:s24], [sflag:$0x1] =	stream.linear.gather [hbm4b:s31+s4], $0x4000, $0x38;
	[tilespmem:$0x9A80] =	vst v63  }
.LBB2_2:
0x67: {  	p0 =	sne.s32 s1, $0x8700;
	[tilespmem:s0+$0x78B0] =	vst v1;
	s2 =	smov.u32 s1;
	s1 =	sadd.s32 $0x100, s1  }
.Ltmp2:
0x68: {  	[tilespmem:s0+$0x78A0] =	vst v1;
	(pc) =	sbr.rel @p0 .LBB2_2-.Ltmp2, $3  }
0x69: {  	[tilespmem:s0+$0x7880] =	vst v1  }
0x6a: {  	[tilespmem:s0+$0x7890] =	vst v1;
	_ =	sdelay $0x1  }
0x6b: {  	s0 =	sshra.s32 s2, $0x2  }
0x6c: {  	[tilespmem:s0+$0x78B0] =	vst v1  }
0x6d: {  	[tilespmem:s0+$0x78A0] =	vst v1  }
0x6e: {  	[tilespmem:s0+$0x7880] =	vst v1  }
0x6f: {  	[tilespmem:s0+$0x7890] =	vst v1  }
0x70: {  	_ =	swait.ge [sflag:s25], $0x800  }
0x71: {  	s31 =	simm.s32 $0x0;
	[sflag:s25] =	ssyncset.done $0x0  }
0x72: {  	v6 =	vor.u32 s31, v2;
	[sflag:s25] =	ssyncadd.s32 $0xFFFFF800  }
0x73: {  	v7 =	vshll.u32 v6, $0x2;
	_ =	swait.ge [sflag:s25], $0x1000  }
0x74: {  	v8 =	vor.u32 $0x2, v7;
	[sflag:s25] =	ssyncset.done $0x0  }
0x75: {  	s1 =	simm.s32 $0x10;
	v9 =	vor.u32 $0x3, v7;
	[sflag:s25] =	ssyncadd.s32 $0xFFFFF000  }
0x76: {  	v10 =	vor.u32 s1, v2;
	_ =	swait.ge [sflag:s25], $0x4000  }
0x77: {  	v11 =	vshll.u32 v10, $0x2;
	v14 =	vor.u32 $0x1, v7;
	[sflag:s25] =	ssyncset.done $0x0  }
0x78: {  	s0 =	simm.s32 $0x20;
	v13 =	vor.u32 $0x2, v11;
	v12 =	vor.u32 $0x3, v11;
	[sflag:s25] =	ssyncadd.s32 $0xFFFFC000  }
.LBB2_4:
0x79: {  	p0 =	sne.s32 s0, $0x1F0;
	v15 =	vld.idx.msk [tilespmem:v8+s4+$0x0], $0xffff;
	v8 =	vmov v13;
	s1 =	smov.u32 s0;
	s0 =	sadd.s32 $0x10, s0  }
0x7a: {  	v13 =	vld.idx.msk [tilespmem:v9+s4+$0x0], $0xffff;
	v9 =	vmov v12  }
0x7b: {  	v12 =	vld.idx.msk [tilespmem:v7+s4+$0x0], $0xffff;
	v7 =	vmov v11  }
0x7c: {  	v16 =	vshll.u32 v6, $0x4;
	v6 =	vmov v10;
	v11 =	vld.idx.msk [tilespmem:v14+s4+$0x0], $0xffff  }
0x7d: {  	v10 =	vor.u32 $0x2, v16;
	v17 =	vor.u32 $0x5, v16  }
0x7e: {  	v18 =	vor.u32 $0x4, v16  }
0x7f: {  	v14 =	vmul.f32 $5.000000000e-01, v15;
	v15 =	vor.u32 $0x1, v16  }
0x80: {  	v19 =	vor.u32 $0x3, v16;
	v13 =	vmul.f32 $5.000000000e-01, v13  }
0x81: {  	v20 =	vsub.f32 v12, v14;
	v12 =	vadd.f32 v14, v12  }
0x82: {  	v14 =	vsub.f32 v11, v13;
	v11 =	vadd.f32 v13, v11  }
0x83: {  	v13 =	vmul.f32 $5.120000000e+02, v20;
	v12 =	vmul.f32 $5.120000000e+02, v12  }
0x84: {  	v11 =	vmul.f32 $5.120000000e+02, v11  }
0x85: {  	v14 =	vmul.f32 $5.120000000e+02, v14;
	v12 =	vtrunc.f32 v12  }
0x86: {  	v12 =	vcvt.f32.s32 v12;
	v11 =	vtrunc.f32 v11  }
0x87: {  	v13 =	vtrunc.f32 v13;
	v14 =	vtrunc.f32 v14  }
0x88: {  	v20 =	vcvt.f32.s32 v14;
	v11 =	vcvt.f32.s32 v11  }
0x89: {  	v21 =	vor.u32 $0x8, v16;
	v13 =	vcvt.f32.s32 v13  }
0x8a: {  	v22 =	vor.u32 $0x6, v16;
	v23 =	vor.u32 $0x7, v16;
	v11 =	vsub.s32 v11, v20  }
0x8b: {  	v12 =	vsub.s32 v12, v13;
	v24 =	vsub.s32 v0, v13;
	vm0 =	vgt.s32 v11, $0x1  }
0x8c: {  	vm1 =	vgt.s32 v12, $0x1;
	v14 =	vnsel vm0, $0x1, v11;
	v11 =	vadd.s32 $0x1F, v11  }
0x8d: {  	v13 =	vsub.s32 v13, v0;
	v25 =	vnsel vm1, $0x1, v12;
	v26 =	vmin.u32 v14, $0x7F  }
0x8e: {  	v24 =	vand.u32 $0x1F, v24;
	v25 =	vmin.u32 v25, $0x7F;
	v14 =	vor.u32 $0x1, v7  }
0x8f: {  	v13 =	vadd.s32 v24, v13;
	v25 =	vshll.u32 v25, $0x7;
	v11 =	vshra.s32 v11, $0x5  }
0x90: {  	v13 =	vshra.s32 v13, $0x5;
	v26 =	vshll.u32 v26, $0x7;
	v27 =	vor.u32 v24, v25  }
0x91: {  	vm0 =	vlt.s32 v13, $0xF;
	vm1 =	vlt.s32 v13, $0xE;
	[tilespmem:v16+s26+$0x0] =	vst.idx.msk $0xffff, v27;
	v16 =	vor.u32 $0x7F, v25  }
0x92: {  	v28 =	vnsel vm1, $0xE, v13;
	v25 =	vshll.u32 v13, $0x9;
	v27 =	vnsel vm0, $0xF, v13;
	[tilespmem:v15+s26+$0x0] =	vst.idx.msk $0xffff, v16  }
0x93: {  	vm0 =	vlt.s32 v13, $0xD;
	v15 =	vshll.u32 v27, $0x9;
	v16 =	vshll.u32 v28, $0x9;
	[tilespmem:v10+s26+$0x0] =	vst.idx.msk $0xffff, v26  }
0x94: {  	v13 =	vnsel vm0, $0xD, v13;
	v10 =	vadd.s32 v20, v25;
	v15 =	vadd.s32 v15, v20;
	[tilespmem:v19+s26+$0x0] =	vst.idx.msk $0xffff, v11  }
.Ltmp3:
0x95: {  	v13 =	vshll.u32 v13, $0x9;
	v11 =	vadd.s32 $0x200, v15;
	v15 =	vadd.s32 v16, v20;
	[tilespmem:v18+s26+$0x0] =	vst.idx.msk $0xffff, v10;
	(pc) =	sbr.rel @p0 .LBB2_4-.Ltmp3, $4  }
0x96: {  	v13 =	vadd.s32 v13, v20;
	v16 =	vsub.s32 v12, v24;
	v15 =	vadd.s32 $0x400, v15;
	[tilespmem:v17+s26+$0x0] =	vst.idx.msk $0xffff, v11  }
0x97: {  	v10 =	vor.u32 s1, v2;
	v12 =	vadd.s32 $0x600, v13;
	[tilespmem:v22+s26+$0x0] =	vst.idx.msk $0xffff, v15  }
0x98: {  	v11 =	vshll.u32 v10, $0x2;
	[tilespmem:v23+s26+$0x0] =	vst.idx.msk $0xffff, v12  }
0x99: {  	v13 =	vor.u32 $0x2, v11;
	v12 =	vor.u32 $0x3, v11;
	[tilespmem:v21+s26+$0x0] =	vst.idx.msk $0xffff, v16  }
0x9a: {  	_ =	sdelay $0x3  }
0x9b: {  	v8 =	vld.idx.msk [tilespmem:v8+s4+$0x0], $0xffff  }
0x9c: {  	v9 =	vld.idx.msk [tilespmem:v9+s4+$0x0], $0xffff  }
0x9d: {  	v7 =	vld.idx.msk [tilespmem:v7+s4+$0x0], $0xffff  }
0x9e: {  	v14 =	vld.idx.msk [tilespmem:v14+s4+$0x0], $0xffff;
	_ =	sdelay $0x2  }
0x9f: {  	v8 =	vmul.f32 $5.000000000e-01, v8;
	v9 =	vmul.f32 $5.000000000e-01, v9;
	_ =	sdelay $0x1  }
0xa0: {  	v15 =	vadd.f32 v8, v7;
	v16 =	vadd.f32 v9, v14  }
0xa1: {  	v7 =	vsub.f32 v7, v8;
	v8 =	vsub.f32 v14, v9  }
0xa2: {  	v6 =	vshll.u32 v6, $0x4;
	v33 =	vmul.f32 $5.120000000e+02, v15;
	v34 =	vmul.f32 $5.120000000e+02, v16  }
0xa3: {  	v35 =	vor.u32 $0x2, v6;
	v7 =	vmul.f32 $5.120000000e+02, v7;
	v8 =	vmul.f32 $5.120000000e+02, v8  }
0xa4: {  	v36 =	vor.u32 $0x5, v6;
	v9 =	vtrunc.f32 v33;
	v14 =	vtrunc.f32 v34  }
0xa5: {  	v17 =	vor.u32 $0x4, v6;
	v7 =	vtrunc.f32 v7;
	v8 =	vtrunc.f32 v8  }
0xa6: {  	v18 =	vor.u32 $0x1, v6;
	v8 =	vcvt.f32.s32 v8;
	v14 =	vcvt.f32.s32 v14  }
0xa7: {  	v19 =	vor.u32 $0x3, v6;
	v9 =	vcvt.f32.s32 v9;
	v7 =	vcvt.f32.s32 v7  }
0xa8: {  	v20 =	vor.u32 $0x8, v6;
	v21 =	vor.u32 $0x6, v6;
	v22 =	vor.u32 $0x7, v6  }
0xa9: {  	v14 =	vsub.s32 v14, v8;
	v9 =	vsub.s32 v9, v7;
	v23 =	vsub.s32 v0, v7  }
0xaa: {  	v7 =	vsub.s32 v7, v0;
	vm0 =	vgt.s32 v14, $0x1;
	vm1 =	vgt.s32 v9, $0x1  }
0xab: {  	v23 =	vand.u32 $0x1F, v23;
	v24 =	vnsel vm0, $0x1, v14;
	v25 =	vnsel vm1, $0x1, v9  }
0xac: {  	v14 =	vadd.s32 $0x1F, v14;
	v7 =	vadd.s32 v23, v7;
	v25 =	vmin.u32 v25, $0x7F  }
0xad: {  	v24 =	vmin.u32 v24, $0x7F;
	v14 =	vshra.s32 v14, $0x5;
	v25 =	vshll.u32 v25, $0x7  }
0xae: {  	v7 =	vshra.s32 v7, $0x5;
	v24 =	vshll.u32 v24, $0x7;
	v26 =	vor.u32 v23, v25  }
0xaf: {  	vm7 =	vlt.s32 v7, $0xF;
	vm8 =	vlt.s32 v7, $0xE;
	[tilespmem:v6+s26+$0x0] =	vst.idx.msk $0xffff, v26;
	v6 =	vor.u32 $0x7F, v25  }
0xb0: {  	v37 =	vshll.u32 v7, $0x9;
	vm9 =	vlt.s32 v7, $0xD;
	v38 =	vnsel vm7, $0xF, v7;
	[tilespmem:v18+s26+$0x0] =	vst.idx.msk $0xffff, v6  }
0xb1: {  	v27 =	vnsel vm8, $0xE, v7;
	v40 =	vadd.s32 v8, v37;
	v6 =	vshll.u32 v38, $0x9;
	[tilespmem:v35+s26+$0x0] =	vst.idx.msk $0xffff, v24  }
0xb2: {  	v7 =	vnsel vm9, $0xD, v7;
	v39 =	vshll.u32 v27, $0x9;
	v6 =	vadd.s32 v6, v8;
	[tilespmem:v19+s26+$0x0] =	vst.idx.msk $0xffff, v14  }
0xb3: {  	v7 =	vshll.u32 v7, $0x9;
	v41 =	vadd.s32 v39, v8;
	v6 =	vadd.s32 $0x200, v6;
	[tilespmem:v17+s26+$0x0] =	vst.idx.msk $0xffff, v40  }
0xb4: {  	v7 =	vadd.s32 v7, v8;
	v14 =	vadd.s32 $0x400, v41;
	[tilespmem:v36+s26+$0x0] =	vst.idx.msk $0xffff, v6  }
0xb5: {  	v6 =	vadd.s32 $0x600, v7;
	[tilespmem:v21+s26+$0x0] =	vst.idx.msk $0xffff, v14  }
0xb6: {  	v8 =	vsub.s32 v9, v23;
	v7 =	vor.u32 $0x1, v11;
	[tilespmem:v22+s26+$0x0] =	vst.idx.msk $0xffff, v6  }
0xb7: {  	[tilespmem:v20+s26+$0x0] =	vst.idx.msk $0xffff, v8  }
0xb8: {  	v6 =	vld.idx.msk [tilespmem:v13+s4+$0x0], $0xffff  }
0xb9: {  	v8 =	vld.idx.msk [tilespmem:v12+s4+$0x0], $0xffff  }
0xba: {  	v42 =	vld.idx.msk [tilespmem:v11+s4+$0x0], $0xffff  }
0xbb: {  	v7 =	vld.idx.msk [tilespmem:v7+s4+$0x0], $0xffff;
	_ =	sdelay $0x2  }
0xbc: {  	v6 =	vmul.f32 $5.000000000e-01, v6;
	v8 =	vmul.f32 $5.000000000e-01, v8;
	_ =	sdelay $0x1  }
0xbd: {  	v11 =	vadd.f32 v6, v42;
	v43 =	vadd.f32 v8, v7  }
0xbe: {  	v6 =	vsub.f32 v42, v6;
	v7 =	vsub.f32 v7, v8  }
0xbf: {  	v8 =	vshll.u32 v10, $0x4;
	v44 =	vmul.f32 $5.120000000e+02, v11;
	v45 =	vmul.f32 $5.120000000e+02, v43  }
0xc0: {  	v46 =	vor.u32 $0x2, v8;
	v6 =	vmul.f32 $5.120000000e+02, v6;
	v7 =	vmul.f32 $5.120000000e+02, v7  }
0xc1: {  	v47 =	vor.u32 $0x5, v8;
	v9 =	vtrunc.f32 v44;
	v10 =	vtrunc.f32 v45  }
0xc2: {  	v48 =	vor.u32 $0x4, v8;
	v6 =	vtrunc.f32 v6;
	v7 =	vtrunc.f32 v7  }
0xc3: {  	v49 =	vor.u32 $0x1, v8;
	v7 =	vcvt.f32.s32 v7;
	v10 =	vcvt.f32.s32 v10  }
0xc4: {  	v50 =	vor.u32 $0x3, v8;
	v9 =	vcvt.f32.s32 v9;
	v6 =	vcvt.f32.s32 v6  }
0xc5: {  	v51 =	vor.u32 $0x8, v8;
	v52 =	vor.u32 $0x6, v8;
	v53 =	vor.u32 $0x7, v8  }
0xc6: {  	v10 =	vsub.s32 v10, v7;
	v9 =	vsub.s32 v9, v6;
	v54 =	vsub.s32 v0, v6  }
0xc7: {  	v6 =	vsub.s32 v6, v0;
	vm10 =	vgt.s32 v10, $0x1;
	vm11 =	vgt.s32 v9, $0x1  }
0xc8: {  	v19 =	vand.u32 $0x1F, v54;
	v55 =	vnsel vm10, $0x1, v10;
	v56 =	vnsel vm11, $0x1, v9  }
0xc9: {  	v10 =	vadd.s32 $0x1F, v10;
	v6 =	vadd.s32 v19, v6;
	v21 =	vmin.u32 v56, $0x7F  }
0xca: {  	v20 =	vmin.u32 v55, $0x7F;
	v10 =	vshra.s32 v10, $0x5;
	v21 =	vshll.u32 v21, $0x7  }
0xcb: {  	v6 =	vshra.s32 v6, $0x5;
	v20 =	vshll.u32 v20, $0x7;
	v57 =	vor.u32 v19, v21  }
0xcc: {  	vm12 =	vlt.s32 v6, $0xF;
	vm13 =	vlt.s32 v6, $0xE;
	[tilespmem:v8+s26+$0x0] =	vst.idx.msk $0xffff, v57;
	v8 =	vor.u32 $0x7F, v21  }
0xcd: {  	v58 =	vshll.u32 v6, $0x9;
	vm14 =	vlt.s32 v6, $0xD;
	v59 =	vnsel vm12, $0xF, v6;
	[tilespmem:v49+s26+$0x0] =	vst.idx.msk $0xffff, v8  }
0xce: {  	v60 =	vnsel vm13, $0xE, v6;
	v62 =	vadd.s32 v7, v58;
	v8 =	vshll.u32 v59, $0x9;
	[tilespmem:v46+s26+$0x0] =	vst.idx.msk $0xffff, v20  }
0xcf: {  	v6 =	vnsel vm14, $0xD, v6;
	v61 =	vshll.u32 v60, $0x9;
	v8 =	vadd.s32 v8, v7;
	[tilespmem:v50+s26+$0x0] =	vst.idx.msk $0xffff, v10  }
0xd0: {  	v6 =	vshll.u32 v6, $0x9;
	v63 =	vadd.s32 v61, v7;
	v8 =	vadd.s32 $0x200, v8;
	[tilespmem:v48+s26+$0x0] =	vst.idx.msk $0xffff, v62  }
0xd1: {  	v6 =	vadd.s32 v6, v7;
	v10 =	vadd.s32 $0x400, v63;
	[tilespmem:v47+s26+$0x0] =	vst.idx.msk $0xffff, v8  }
0xd2: {  	v6 =	vadd.s32 $0x600, v6;
	[tilespmem:v52+s26+$0x0] =	vst.idx.msk $0xffff, v10  }
0xd3: {  	v7 =	vsub.s32 v9, v19;
	[tilespmem:v53+s26+$0x0] =	vst.idx.msk $0xffff, v6  }
0xd4: {  	[tilespmem:v51+s26+$0x0] =	vst.idx.msk $0xffff, v7  }
0xd5: {  	[tilespmem:v3+s26+$0x0] =	vst.idx.msk $0xffff, v4  }
0xd6: {  	v6 =	vld.idx.msk [tilespmem:v2+s26+$0x0], $0xffff;
	_ =	sdelay $0x4  }
0xd7: {  	v7 =	vbroadcast v6, $0x0  }
0xd8: {  	v8 =	vbroadcast v6, $0x1  }
0xd9: {  	v7 =	vadd.s32 v5, v7  }
0xda: {  	vm15 =	vlt.s32 v7, v8  }
0xdb: {  	v7 =	vsel vm15, v7, v8  }
.Ltmp4:
0xdc: {  	_ = 	snop;
	(pc) =	sbr.rel .LBB2_6-.Ltmp4, $2  }
0xdd: {  	_ =	sdelay $0x2  }
0xde: {  	s29 =	simm.s32 $0x0;
	v7 =	vld.idx.msk [tilespmem:v7+s24+$0x0], $0xffff  }
.LBB2_24:
0xdf: {  	v7 =	vbroadcast v6, $0x0  }
0xe0: {  	v8 =	vbroadcast v6, $0x1  }
0xe1: {  	v7 =	vadd.s32 v5, v7  }
0xe2: {  	vm0 =	vlt.s32 v7, v8  }
0xe3: {  	p0 =	sne.s32 s29, $0x200;
	v7 =	vsel vm0, v7, v8  }
.Ltmp5:
0xe4: {  	_ = 	snop;
	(pc) =	sbr.rel @!p0 .LBB2_25-.Ltmp5, $2  }
0xe5: {  	_ =	sdelay $0x2  }
0xe6: {  	v7 =	vld.idx.msk [tilespmem:v7+s24+$0x0], $0xffff  }
.LBB2_6:
0xe7: {  	_ =	sdelay $0x3  }
0xe8: {  	(v2sf) =	vpush v6, $0x2  }
0xe9: {  	(v2sf) =	vpush v6, $0x3;
	_ =	sdelay $0x4  }
0xea: {  	(v2sf) =	vpush v6, $0x4  }
0xeb: {  	(v2sf) =	vpush v6, $0x5  }
0xec: {  	(v2sf) =	vpush v6, $0x6  }
0xed: {  	(v2sf) =	vpush v6, $0x7  }
0xee: {  	(v2sf) =	vpush v6, $0x8;
	_ =	sdelay $0x4  }
0xef: {  	s1 =	spop (v2sf)  }
0xf0: {  	s29 =	sadd.s32 $0x1, s29;
	s30 =	spop (v2sf)  }
0xf1: {  	s0 =	sshll.u32 s29, $0x4;
	s13 =	sshrl.u32 s30, $0x1F  }
0xf2: {  	v6 =	vor.u32 s0, v2;
	s0 =	sadd.s32 s13, s30  }
0xf3: {  	s0 =	sand.u32 $0xFFFFFFFE, s0  }
0xf4: {  	p0 =	slt.s32 s0, $0x1  }
.Ltmp6:
0xf5: {  	s7 =	spop (v2sf);
	(pc) =	sbr.rel @p0 .LBB2_9-.Ltmp6, $4  }
0xf6: {  	s3 =	spop (v2sf)  }
0xf7: {  	s31 =	spop (v2sf)  }
0xf8: {  	v7 =	vshll.u32 v7, $0x6;
	s2 =	spop (v2sf)  }
0xf9: {  	v8 =	vbroadcast v7, $0x0;
	v9 =	vbroadcast v7, $0x1;
	v6 =	vld.idx.msk [tilespmem:v6+s26+$0x0], $0xffff;
	s8 =	sshll.u32 s3, $0x2;
	s3 =	sshll.u32 s1, $0x2;
	s6 =	spop (v2sf)  }
0xfa: {  	s10 =	sshra.s32 s3, $0x2  }
0xfb: {  	s13 =	sadd.s32 $0x1820, s10  }
0xfc: {  	v20 =	vld [tilespmem:s13+$0x0]  }
0xfd: {  	v11 =	vld [tilespmem:s13+$0x10];
	_ =	sdelay $0x1  }
0xfe: {  	v12 =	vld [tilespmem:s13+$0xFFFFFFE0]  }
0xff: {  	v10 =	vld [tilespmem:s13+$0xFFFFFFF0]  }
0x100: {  	s1 =	sshll.u32 s7, $0x2;
	v13 =	vadd.s32 v8, v20  }
0x101: {  	s9 =	sshra.s32 s8, $0x2;
	s12 =	sshra.s32 s1, $0x2;
	v14 =	vadd.s32 v8, v11  }
0x102: {  	s11 =	sadd.s32 $0x78A0, s9;
	s9 =	sadd.s32 $0x78A0, s12  }
0x103: {  	v16 =	vld [tilespmem:s9+$0x0];
	v15 =	vadd.s32 v8, v12  }
0x104: {  	v21 =	vld [tilespmem:s9+$0x10];
	v17 =	vadd.s32 v8, v10  }
0x105: {  	v13 =	vld.idx.msk [tilespmem:v13+s23+$0x0], $0xffff  }
0x106: {  	p2 =	sgt.s32 s0, $0x2;
	v18 =	vld.idx.msk [tilespmem:v14+s23+$0x0], $0xffff  }
.Ltmp7:
0x107: {  	_ = 	snop;
	(pc) =	sbr.rel @!p2 .LBB2_8-.Ltmp7, $4  }
0x108: {  	v15 =	vld.idx.msk [tilespmem:v15+s23+$0x0], $0xffff  }
0x109: {  	v14 =	vld.idx.msk [tilespmem:v17+s23+$0x0], $0xffff  }
0x10a: {  	v10 =	vadd.s32 v9, v10;
	v17 =	vld [tilespmem:s9+$0xFFFFFFE0];
	v22 =	vmax.f32 v16, v13  }
0x10b: {  	p1 =	por $0x0, $0x0;
	s1 =	sadd.s32 $0x40, s13;
	v19 =	vadd.s32 v9, v11;
	v13 =	vadd.s32 v9, v12;
	v16 =	vld [tilespmem:s9+$0xFFFFFFF0];
	v21 =	vmax.f32 v21, v18;
	[tilespmem:s9+$0x0] =	vst v22  }
0x10c: {  	_ =	sdelay $0x1  }
0x10d: {  	v12 =	vld [tilespmem:s1+$0x0]  }
0x10e: {  	[tilespmem:s9+$0x10] =	vst v21;
	v21 =	vld [tilespmem:s1+$0x10]  }
0x10f: {  	v18 =	vld.idx.msk [tilespmem:v19+s23+$0x0], $0xffff  }
0x110: {  	v19 =	vld [tilespmem:s11+$0x10];
	v11 =	vmax.f32 v17, v15  }
0x111: {  	v15 =	vadd.s32 v9, v20;
	v20 =	vld [tilespmem:s1+$0xFFFFFFE0];
	[tilespmem:s9+$0xFFFFFFE0] =	vst v11;
	v11 =	vmax.f32 v16, v14  }
0x112: {  	v16 =	vld [tilespmem:s1+$0xFFFFFFF0];
	[tilespmem:s9+$0xFFFFFFF0] =	vst v11  }
0x113: {  	v13 =	vld.idx.msk [tilespmem:v13+s23+$0x0], $0xffff  }
0x114: {  	v10 =	vld.idx.msk [tilespmem:v10+s23+$0x0], $0xffff  }
0x115: {  	v14 =	vadd.s32 v8, v12;
	v22 =	vld [tilespmem:s11+$0xFFFFFFE0]  }
0x116: {  	v17 =	vadd.s32 v8, v21;
	s9 =	sadd.s32 $0x40, s9;
	v23 =	vld [tilespmem:s11+$0xFFFFFFF0]  }
0x117: {  	v25 =	vld [tilespmem:s9+$0x0]  }
0x118: {  	v28 =	vld [tilespmem:s9+$0x10]  }
0x119: {  	v11 =	vld.idx.msk [tilespmem:v15+s23+$0x0], $0xffff;
	v15 =	vadd.s32 v8, v20  }
0x11a: {  	v24 =	vadd.s32 v8, v16;
	v26 =	vld.idx.msk [tilespmem:v14+s23+$0x0], $0xffff  }
0x11b: {  	p2 =	sgt.s32 s0, $0x4;
	v27 =	vld.idx.msk [tilespmem:v17+s23+$0x0], $0xffff  }
.Ltmp8:
0x11c: {  	v14 =	vmax.f32 v19, v18;
	v17 =	vld [tilespmem:s9+$0xFFFFFFE0];
	v13 =	vmax.f32 v22, v13;
	(pc) =	sbr.rel @!p2 .LBB2_17-.Ltmp8, $4  }
0x11d: {  	v19 =	vadd.s32 v9, v21;
	[tilespmem:s11+$0xFFFFFFE0] =	vst v13;
	v13 =	vmax.f32 v23, v10;
	v10 =	vadd.s32 v9, v16;
	v16 =	vld [tilespmem:s9+$0xFFFFFFF0]  }
0x11e: {  	[tilespmem:s11+$0x10] =	vst v14;
	v15 =	vld.idx.msk [tilespmem:v15+s23+$0x0], $0xffff  }
0x11f: {  	s12 =	simm.s32 $0x4;
	s13 =	sadd.s32 $0x40, s1;
	[tilespmem:s11+$0xFFFFFFF0] =	vst v13;
	v14 =	vld.idx.msk [tilespmem:v24+s23+$0x0], $0xffff;
	v18 =	vmax.f32 v25, v26  }
0x120: {  	p1 =	por $0x1, $0x1;
	s10 =	smov.u32 s11;
	s1 =	smov.u32 s11;
	v13 =	vadd.s32 v9, v20;
	v21 =	vmax.f32 v28, v27;
	[tilespmem:s9+$0x0] =	vst v18;
	v18 =	vld [tilespmem:s11+$0x0]  }
.LBB2_18:
0x121: {  	v20 =	vld [tilespmem:s13+$0x0];
	[tilespmem:s9+$0x10] =	vst v21  }
0x122: {  	s10 =	sadd.s32 $0x40, s10;
	v19 =	vld.idx.msk [tilespmem:v19+s23+$0x0], $0xffff  }
0x123: {  	v15 =	vmax.f32 v17, v15;
	v17 =	vld [tilespmem:s10+$0x10]  }
0x124: {  	s12 =	sadd.s32 $0x2, s12;
	v21 =	vld [tilespmem:s13+$0x10];
	[tilespmem:s9+$0xFFFFFFE0] =	vst v15;
	v14 =	vmax.f32 v16, v14;
	v15 =	vadd.s32 v9, v12  }
0x125: {  	p2 =	slt.s32 s12, s0;
	v16 =	vld [tilespmem:s13+$0xFFFFFFF0];
	[tilespmem:s9+$0xFFFFFFF0] =	vst v14;
	v11 =	vmax.f32 v18, v11  }
0x126: {  	v14 =	vld [tilespmem:s13+$0xFFFFFFE0];
	[tilespmem:s1+$0x0] =	vst v11;
	v12 =	vmov v20;
	s1 =	smov.u32 s10  }
0x127: {  	v18 =	vld.idx.msk [tilespmem:v13+s23+$0x0], $0xffff  }
0x128: {  	v20 =	vadd.s32 v8, v12;
	v22 =	vld.idx.msk [tilespmem:v10+s23+$0x0], $0xffff;
	v10 =	vmax.f32 v17, v19  }
0x129: {  	v17 =	vadd.s32 v8, v21;
	v11 =	vld.idx.msk [tilespmem:v15+s23+$0x0], $0xffff;
	[tilespmem:s10+$0x10] =	vst v10  }
0x12a: {  	v19 =	vadd.s32 v8, v16;
	v10 =	vadd.s32 v9, v16;
	v15 =	vld [tilespmem:s10+$0xFFFFFFE0]  }
0x12b: {  	s9 =	sadd.s32 $0x40, s9;
	v16 =	vadd.s32 v8, v14;
	v13 =	vadd.s32 v9, v14;
	v14 =	vld [tilespmem:s10+$0xFFFFFFF0]  }
0x12c: {  	v23 =	vld [tilespmem:s9+$0x0]  }
0x12d: {  	v20 =	vld.idx.msk [tilespmem:v20+s23+$0x0], $0xffff  }
0x12e: {  	v24 =	vld.idx.msk [tilespmem:v17+s23+$0x0], $0xffff  }
0x12f: {  	v25 =	vld [tilespmem:s9+$0x10];
	v17 =	vmax.f32 v15, v18  }
.Ltmp9:
0x130: {  	v15 =	vld.idx.msk [tilespmem:v16+s23+$0x0], $0xffff;
	[tilespmem:s10+$0xFFFFFFE0] =	vst v17;
	v16 =	vmax.f32 v14, v22;
	(pc) =	sbr.rel @p2 .LBB2_18-.Ltmp9, $4  }
0x131: {  	v14 =	vld.idx.msk [tilespmem:v19+s23+$0x0], $0xffff;
	v19 =	vadd.s32 v9, v21;
	[tilespmem:s10+$0xFFFFFFF0] =	vst v16  }
0x132: {  	v17 =	vld [tilespmem:s9+$0xFFFFFFE0]  }
0x133: {  	v18 =	vmax.f32 v23, v20;
	v16 =	vld [tilespmem:s9+$0xFFFFFFF0]  }
0x134: {  	s13 =	sadd.s32 $0x40, s13;
	[tilespmem:s9+$0x0] =	vst v18;
	v21 =	vmax.f32 v25, v24;
	v18 =	vld [tilespmem:s10+$0x0]  }
0x135: {  	v20 =	vmov v12  }
.LBB2_20:
0x136: {  	_ =	sdelay $0x2  }
0x137: {  	[tilespmem:s9+$0x10] =	vst v21;
	s10 =	sadd.s32 @p1 $0x40, s10  }
0x138: {  	v12 =	vld.idx.msk [tilespmem:v19+s23+$0x0], $0xffff;
	v15 =	vmax.f32 v17, v15;
	s11 =	smov.u32 @p1 s10  }
0x139: {  	v60 =	vld [tilespmem:s11+$0x10];
	[tilespmem:s9+$0xFFFFFFE0] =	vst v15;
	v14 =	vmax.f32 v16, v14  }
0x13a: {  	v59 =	vadd.s32 v9, v20;
	v63 =	vld [tilespmem:s11+$0x0];
	[tilespmem:s9+$0xFFFFFFF0] =	vst v14  }
0x13b: {  	v13 =	vld.idx.msk [tilespmem:v13+s23+$0x0], $0xffff  }
0x13c: {  	v10 =	vld.idx.msk [tilespmem:v10+s23+$0x0], $0xffff  }
0x13d: {  	v15 =	vld [tilespmem:s11+$0xFFFFFFE0]  }
0x13e: {  	v62 =	vld [tilespmem:s11+$0xFFFFFFF0]  }
0x13f: {  	v61 =	vld.idx.msk [tilespmem:v59+s23+$0x0], $0xffff  }
0x140: {  	v11 =	vmax.f32 @p1 v18, v11  }
0x141: {  	[tilespmem:s1+$0x0] =	vst @p1 v11;
	v12 =	vmax.f32 v60, v12  }
0x142: {  	[tilespmem:s11+$0x10] =	vst v12;
	v11 =	vmax.f32 v15, v13  }
0x143: {  	v10 =	vmax.f32 v62, v10;
	[tilespmem:s11+$0xFFFFFFE0] =	vst v11  }
0x144: {  	[tilespmem:s11+$0xFFFFFFF0] =	vst v10;
	v10 =	vmax.f32 v63, v61  }
0x145: {  	[tilespmem:s11+$0x0] =	vst v10  }
.LBB2_9:
0x146: {  	p1 =	sge.s32 s0, s30  }
.Ltmp10:
0x147: {  	_ = 	snop;
	(pc) =	sbr.rel @p1 .LBB2_12-.Ltmp10, $2  }
0x148: {  	_ =	sdelay $0x2  }
0x149: {  	s1 =	ssub.s32 s30, s0  }
0x14a: {  	s9 =	sshll.u32 s30, $0x7  }
0x14b: {  	s7 =	sshll.u32 s7, $0x2;
	s11 =	sshll.u32 s1, $0x7;
	s10 =	sadd.s32 s3, s9  }
0x14c: {  	s8 =	sadd.s32 s8, s9;
	s7 =	sadd.s32 s7, s9;
	s12 =	ssub.s32 s10, s11  }
0x14d: {  	s8 =	ssub.s32 s8, s11;
	s7 =	ssub.s32 s7, s11;
	s10 =	smov.u32 s1  }
0x14e: {  	s9 =	sshra.s32 s12, $0x2;
	s8 =	sshra.s32 s8, $0x2;
	s13 =	sshra.s32 s7, $0x2  }
0x14f: {  	s7 =	sadd.s32 $0x1810, s9;
	s8 =	sadd.s32 $0x7890, s8;
	s9 =	sadd.s32 $0x7890, s13  }
.LBB2_11:
0x150: {  	v10 =	vld [tilespmem:s7+$0xFFFFFFF0];
	_ =	sdelay $0x4  }
0x151: {  	v12 =	vld [tilespmem:s7+$0x0];
	v11 =	vadd.s32 v8, v10;
	_ =	sdelay $0x3  }
0x152: {  	v14 =	vld [tilespmem:s9+$0xFFFFFFF0]  }
0x153: {  	v13 =	vadd.s32 v8, v12;
	v11 =	vld.idx.msk [tilespmem:v11+s23+$0x0], $0xffff;
	_ =	sdelay $0x4  }
0x154: {  	v13 =	vld.idx.msk [tilespmem:v13+s23+$0x0], $0xffff;
	v11 =	vmax.f32 v14, v11  }
0x155: {  	[tilespmem:s9+$0xFFFFFFF0] =	vst v11;
	v11 =	vld [tilespmem:s9+$0x0];
	_ =	sdelay $0x1  }
0x156: {  	v10 =	vadd.s32 v9, v10;
	_ =	sdelay $0x2  }
0x157: {  	v11 =	vmax.f32 v11, v13  }
0x158: {  	[tilespmem:s9+$0x0] =	vst v11  }
0x159: {  	v10 =	vld.idx.msk [tilespmem:v10+s23+$0x0], $0xffff  }
0x15a: {  	v11 =	vadd.s32 v9, v12;
	v63 =	vld [tilespmem:s8+$0xFFFFFFF0];
	_ =	sdelay $0x4  }
0x15b: {  	v11 =	vld.idx.msk [tilespmem:v11+s23+$0x0], $0xffff;
	v10 =	vmax.f32 v63, v10  }
0x15c: {  	[tilespmem:s8+$0xFFFFFFF0] =	vst v10;
	v10 =	vld [tilespmem:s8+$0x0]  }
0x15d: {  	p2 =	sne.s32 s10, $0x1  }
.Ltmp11:
0x15e: {  	_ = 	snop;
	(pc) =	sbr.rel @p2 .LBB2_11-.Ltmp11, $3  }
0x15f: {  	_ =	sdelay $0x1  }
0x160: {  	s7 =	sadd.s32 $0x20, s7;
	v10 =	vmax.f32 v10, v11  }
0x161: {  	s10 =	sadd.s32 $0xFFFFFFFF, s10;
	s9 =	sadd.s32 $0x20, s9;
	[tilespmem:s8+$0x0] =	vst v10;
	s8 =	sadd.s32 $0x20, s8  }
.LBB2_12:
0x162: {  	p2 =	slt.s32 s6, $0x41  }
.Ltmp12:
0x163: {  	_ = 	snop;
	(pc) =	sbr.rel @p2 .LBB2_24-.Ltmp12, $1  }
0x164: {  	_ =	sdelay $0x3  }
.Ltmp13:
0x165: {  	(pc) =	sbr.rel @p0 .LBB2_21-.Ltmp13, $2  }
0x166: {  	_ =	sdelay $0x2  }
0x167: {  	v8 =	vbroadcast v7, $0x2;
	v7 =	vbroadcast v7, $0x3;
	s2 =	sshll.u32 s2, $0x2  }
0x168: {  	s8 =	sshra.s32 s3, $0x2  }
0x169: {  	s8 =	sadd.s32 $0x1820, s8  }
0x16a: {  	v19 =	vld [tilespmem:s8+$0x0]  }
0x16b: {  	v10 =	vld [tilespmem:s8+$0x10];
	_ =	sdelay $0x1  }
0x16c: {  	v11 =	vld [tilespmem:s8+$0xFFFFFFE0]  }
0x16d: {  	v9 =	vld [tilespmem:s8+$0xFFFFFFF0]  }
0x16e: {  	s6 =	sshll.u32 s31, $0x2;
	v12 =	vadd.s32 v8, v19  }
0x16f: {  	s7 =	sshra.s32 s2, $0x2;
	s9 =	sshra.s32 s6, $0x2;
	v13 =	vadd.s32 v8, v10  }
0x170: {  	s6 =	sadd.s32 $0x78A0, s7;
	s7 =	sadd.s32 $0x78A0, s9  }
0x171: {  	v15 =	vld [tilespmem:s7+$0x0];
	v14 =	vadd.s32 v8, v11  }
0x172: {  	v20 =	vld [tilespmem:s7+$0x10];
	v16 =	vadd.s32 v8, v9  }
0x173: {  	v12 =	vld.idx.msk [tilespmem:v12+s23+$0x0], $0xffff  }
0x174: {  	p2 =	sgt.s32 s0, $0x2;
	v17 =	vld.idx.msk [tilespmem:v13+s23+$0x0], $0xffff  }
.Ltmp14:
0x175: {  	_ = 	snop;
	(pc) =	sbr.rel @!p2 .LBB2_15-.Ltmp14, $4  }
0x176: {  	v14 =	vld.idx.msk [tilespmem:v14+s23+$0x0], $0xffff  }
0x177: {  	v13 =	vld.idx.msk [tilespmem:v16+s23+$0x0], $0xffff  }
0x178: {  	v9 =	vadd.s32 v7, v9;
	v16 =	vld [tilespmem:s7+$0xFFFFFFE0];
	v21 =	vmax.f32 v15, v12  }
0x179: {  	p0 =	por $0x0, $0x0;
	s8 =	sadd.s32 $0x40, s8;
	v18 =	vadd.s32 v7, v10;
	v12 =	vadd.s32 v7, v11;
	v15 =	vld [tilespmem:s7+$0xFFFFFFF0];
	v20 =	vmax.f32 v20, v17;
	[tilespmem:s7+$0x0] =	vst v21  }
0x17a: {  	_ =	sdelay $0x1  }
0x17b: {  	v11 =	vld [tilespmem:s8+$0x0]  }
0x17c: {  	[tilespmem:s7+$0x10] =	vst v20;
	v20 =	vld [tilespmem:s8+$0x10]  }
0x17d: {  	v17 =	vld.idx.msk [tilespmem:v18+s23+$0x0], $0xffff  }
0x17e: {  	v18 =	vld [tilespmem:s6+$0x10];
	v10 =	vmax.f32 v16, v14  }
0x17f: {  	v14 =	vadd.s32 v7, v19;
	v19 =	vld [tilespmem:s8+$0xFFFFFFE0];
	[tilespmem:s7+$0xFFFFFFE0] =	vst v10;
	v10 =	vmax.f32 v15, v13  }
0x180: {  	v15 =	vld [tilespmem:s8+$0xFFFFFFF0];
	[tilespmem:s7+$0xFFFFFFF0] =	vst v10  }
0x181: {  	v12 =	vld.idx.msk [tilespmem:v12+s23+$0x0], $0xffff  }
0x182: {  	v9 =	vld.idx.msk [tilespmem:v9+s23+$0x0], $0xffff  }
0x183: {  	v13 =	vadd.s32 v8, v11;
	v21 =	vld [tilespmem:s6+$0xFFFFFFE0]  }
0x184: {  	v16 =	vadd.s32 v8, v20;
	s7 =	sadd.s32 $0x40, s7;
	v22 =	vld [tilespmem:s6+$0xFFFFFFF0]  }
0x185: {  	v24 =	vld [tilespmem:s7+$0x0]  }
0x186: {  	v27 =	vld [tilespmem:s7+$0x10]  }
0x187: {  	v10 =	vld.idx.msk [tilespmem:v14+s23+$0x0], $0xffff;
	v14 =	vadd.s32 v8, v19  }
0x188: {  	v23 =	vadd.s32 v8, v15;
	v25 =	vld.idx.msk [tilespmem:v13+s23+$0x0], $0xffff  }
0x189: {  	p2 =	sgt.s32 s0, $0x4;
	v26 =	vld.idx.msk [tilespmem:v16+s23+$0x0], $0xffff  }
.Ltmp15:
0x18a: {  	v13 =	vmax.f32 v18, v17;
	v16 =	vld [tilespmem:s7+$0xFFFFFFE0];
	v12 =	vmax.f32 v21, v12;
	(pc) =	sbr.rel @!p2 .LBB2_28-.Ltmp15, $4  }
0x18b: {  	v18 =	vadd.s32 v7, v20;
	[tilespmem:s6+$0xFFFFFFE0] =	vst v12;
	v12 =	vmax.f32 v22, v9;
	v9 =	vadd.s32 v7, v15;
	v15 =	vld [tilespmem:s7+$0xFFFFFFF0]  }
0x18c: {  	[tilespmem:s6+$0x10] =	vst v13;
	v14 =	vld.idx.msk [tilespmem:v14+s23+$0x0], $0xffff  }
0x18d: {  	s10 =	simm.s32 $0x4;
	s11 =	sadd.s32 $0x40, s8;
	[tilespmem:s6+$0xFFFFFFF0] =	vst v12;
	v13 =	vld.idx.msk [tilespmem:v23+s23+$0x0], $0xffff;
	v17 =	vmax.f32 v24, v25  }
0x18e: {  	p0 =	por $0x1, $0x1;
	s9 =	smov.u32 s6;
	s8 =	smov.u32 s6;
	v12 =	vadd.s32 v7, v19;
	v20 =	vmax.f32 v27, v26;
	[tilespmem:s7+$0x0] =	vst v17;
	v17 =	vld [tilespmem:s6+$0x0]  }
.LBB2_29:
0x18f: {  	v19 =	vld [tilespmem:s11+$0x0];
	[tilespmem:s7+$0x10] =	vst v20  }
0x190: {  	s9 =	sadd.s32 $0x40, s9;
	v18 =	vld.idx.msk [tilespmem:v18+s23+$0x0], $0xffff  }
0x191: {  	v14 =	vmax.f32 v16, v14;
	v16 =	vld [tilespmem:s9+$0x10]  }
0x192: {  	s10 =	sadd.s32 $0x2, s10;
	v20 =	vld [tilespmem:s11+$0x10];
	[tilespmem:s7+$0xFFFFFFE0] =	vst v14;
	v13 =	vmax.f32 v15, v13;
	v14 =	vadd.s32 v7, v11  }
0x193: {  	p2 =	slt.s32 s10, s0;
	v15 =	vld [tilespmem:s11+$0xFFFFFFF0];
	[tilespmem:s7+$0xFFFFFFF0] =	vst v13;
	v10 =	vmax.f32 v17, v10  }
0x194: {  	v13 =	vld [tilespmem:s11+$0xFFFFFFE0];
	[tilespmem:s8+$0x0] =	vst v10;
	v11 =	vmov v19;
	s8 =	smov.u32 s9  }
0x195: {  	v17 =	vld.idx.msk [tilespmem:v12+s23+$0x0], $0xffff  }
0x196: {  	v19 =	vadd.s32 v8, v11;
	v21 =	vld.idx.msk [tilespmem:v9+s23+$0x0], $0xffff;
	v9 =	vmax.f32 v16, v18  }
0x197: {  	v16 =	vadd.s32 v8, v20;
	v10 =	vld.idx.msk [tilespmem:v14+s23+$0x0], $0xffff;
	[tilespmem:s9+$0x10] =	vst v9  }
0x198: {  	v18 =	vadd.s32 v8, v15;
	v9 =	vadd.s32 v7, v15;
	v14 =	vld [tilespmem:s9+$0xFFFFFFE0]  }
0x199: {  	s7 =	sadd.s32 $0x40, s7;
	v15 =	vadd.s32 v8, v13;
	v12 =	vadd.s32 v7, v13;
	v13 =	vld [tilespmem:s9+$0xFFFFFFF0]  }
0x19a: {  	v22 =	vld [tilespmem:s7+$0x0]  }
0x19b: {  	v19 =	vld.idx.msk [tilespmem:v19+s23+$0x0], $0xffff  }
0x19c: {  	v23 =	vld.idx.msk [tilespmem:v16+s23+$0x0], $0xffff  }
0x19d: {  	v24 =	vld [tilespmem:s7+$0x10];
	v16 =	vmax.f32 v14, v17  }
.Ltmp16:
0x19e: {  	v14 =	vld.idx.msk [tilespmem:v15+s23+$0x0], $0xffff;
	[tilespmem:s9+$0xFFFFFFE0] =	vst v16;
	v15 =	vmax.f32 v13, v21;
	(pc) =	sbr.rel @p2 .LBB2_29-.Ltmp16, $4  }
0x19f: {  	v13 =	vld.idx.msk [tilespmem:v18+s23+$0x0], $0xffff;
	v18 =	vadd.s32 v7, v20;
	[tilespmem:s9+$0xFFFFFFF0] =	vst v15  }
0x1a0: {  	v16 =	vld [tilespmem:s7+$0xFFFFFFE0]  }
0x1a1: {  	v17 =	vmax.f32 v22, v19;
	v15 =	vld [tilespmem:s7+$0xFFFFFFF0]  }
0x1a2: {  	s11 =	sadd.s32 $0x40, s11;
	[tilespmem:s7+$0x0] =	vst v17;
	v20 =	vmax.f32 v24, v23;
	v17 =	vld [tilespmem:s9+$0x0]  }
0x1a3: {  	v19 =	vmov v11  }
.LBB2_31:
0x1a4: {  	_ =	sdelay $0x2  }
0x1a5: {  	[tilespmem:s7+$0x10] =	vst v20;
	s0 =	sadd.s32 @p0 $0x40, s9  }
0x1a6: {  	v11 =	vld.idx.msk [tilespmem:v18+s23+$0x0], $0xffff;
	v14 =	vmax.f32 v16, v14;
	s6 =	smov.u32 @p0 s0  }
0x1a7: {  	v60 =	vadd.s32 v7, v19;
	v61 =	vld [tilespmem:s6+$0x10];
	[tilespmem:s7+$0xFFFFFFE0] =	vst v14;
	v13 =	vmax.f32 v15, v13  }
0x1a8: {  	[tilespmem:s7+$0xFFFFFFF0] =	vst v13  }
0x1a9: {  	v12 =	vld.idx.msk [tilespmem:v12+s23+$0x0], $0xffff  }
0x1aa: {  	v9 =	vld.idx.msk [tilespmem:v9+s23+$0x0], $0xffff  }
0x1ab: {  	v14 =	vld [tilespmem:s6+$0xFFFFFFE0]  }
0x1ac: {  	v62 =	vld.idx.msk [tilespmem:v60+s23+$0x0], $0xffff;
	v11 =	vmax.f32 v61, v11  }
0x1ad: {  	[tilespmem:s6+$0x10] =	vst v11;
	v11 =	vld [tilespmem:s6+$0xFFFFFFF0]  }
0x1ae: {  	v63 =	vld [tilespmem:s6+$0x0];
	_ =	sdelay $0x1  }
0x1af: {  	v10 =	vmax.f32 @p0 v17, v10  }
0x1b0: {  	[tilespmem:s8+$0x0] =	vst @p0 v10;
	v10 =	vmax.f32 v14, v12  }
0x1b1: {  	[tilespmem:s6+$0xFFFFFFE0] =	vst v10;
	v9 =	vmax.f32 v11, v9  }
0x1b2: {  	[tilespmem:s6+$0xFFFFFFF0] =	vst v9;
	v9 =	vmax.f32 v63, v62  }
0x1b3: {  	[tilespmem:s6+$0x0] =	vst v9  }
.LBB2_21:
.Ltmp17:
0x1b4: {  	(pc) =	sbr.rel @p1 .LBB2_24-.Ltmp17, $1  }
0x1b5: {  	_ =	sdelay $0x3  }
0x1b6: {  	s0 =	sshll.u32 s30, $0x7;
	s6 =	sshll.u32 s31, $0x2;
	s7 =	sshll.u32 s1, $0x7  }
0x1b7: {  	s3 =	sadd.s32 s3, s0;
	s2 =	sadd.s32 s2, s0;
	s0 =	sadd.s32 s6, s0  }
0x1b8: {  	s3 =	ssub.s32 s3, s7;
	s2 =	ssub.s32 s2, s7;
	s0 =	ssub.s32 s0, s7  }
0x1b9: {  	s3 =	sshra.s32 s3, $0x2;
	s2 =	sshra.s32 s2, $0x2;
	s31 =	sshra.s32 s0, $0x2  }
0x1ba: {  	s0 =	sadd.s32 $0x1810, s3;
	s2 =	sadd.s32 $0x7890, s2;
	s3 =	sadd.s32 $0x7890, s31  }
.LBB2_23:
0x1bb: {  	v9 =	vld [tilespmem:s0+$0xFFFFFFF0];
	_ =	sdelay $0x4  }
0x1bc: {  	v11 =	vld [tilespmem:s0+$0x0];
	v10 =	vadd.s32 v8, v9;
	_ =	sdelay $0x3  }
0x1bd: {  	v13 =	vld [tilespmem:s3+$0xFFFFFFF0]  }
0x1be: {  	v12 =	vadd.s32 v8, v11;
	v10 =	vld.idx.msk [tilespmem:v10+s23+$0x0], $0xffff;
	_ =	sdelay $0x4  }
0x1bf: {  	v12 =	vld.idx.msk [tilespmem:v12+s23+$0x0], $0xffff;
	v10 =	vmax.f32 v13, v10  }
0x1c0: {  	[tilespmem:s3+$0xFFFFFFF0] =	vst v10;
	v10 =	vld [tilespmem:s3+$0x0];
	_ =	sdelay $0x1  }
0x1c1: {  	v9 =	vadd.s32 v7, v9;
	_ =	sdelay $0x2  }
0x1c2: {  	v10 =	vmax.f32 v10, v12  }
0x1c3: {  	[tilespmem:s3+$0x0] =	vst v10  }
0x1c4: {  	v9 =	vld.idx.msk [tilespmem:v9+s23+$0x0], $0xffff  }
0x1c5: {  	v10 =	vadd.s32 v7, v11;
	v11 =	vld [tilespmem:s2+$0xFFFFFFF0];
	_ =	sdelay $0x4  }
0x1c6: {  	v10 =	vld.idx.msk [tilespmem:v10+s23+$0x0], $0xffff;
	v9 =	vmax.f32 v11, v9  }
0x1c7: {  	[tilespmem:s2+$0xFFFFFFF0] =	vst v9;
	v9 =	vld [tilespmem:s2+$0x0]  }
0x1c8: {  	p0 =	sne.s32 s1, $0x1  }
.Ltmp18:
0x1c9: {  	_ = 	snop;
	(pc) =	sbr.rel @p0 .LBB2_23-.Ltmp18, $3  }
0x1ca: {  	_ =	sdelay $0x1  }
0x1cb: {  	s0 =	sadd.s32 $0x20, s0;
	v9 =	vmax.f32 v9, v10  }
0x1cc: {  	s1 =	sadd.s32 $0xFFFFFFFF, s1;
	s3 =	sadd.s32 $0x20, s3;
	[tilespmem:s2+$0x0] =	vst v9;
	s2 =	sadd.s32 $0x20, s2  }
.Ltmp19:
0x1cd: {  	_ = 	snop;
	(pc) =	sbr.rel .LBB2_24-.Ltmp19, $1  }
0x1ce: {  	_ =	sdelay $0x3  }
.LBB2_8:
.Ltmp20:
0x1cf: {  	(pc) =	sbr.rel .LBB2_20-.Ltmp20, $2  }
0x1d0: {  	_ =	sdelay $0x2  }
0x1d1: {  	s10 =	smov.u32 s11  }
.LBB2_17:
.Ltmp21:
0x1d2: {  	(pc) =	sbr.rel .LBB2_20-.Ltmp21, $2  }
0x1d3: {  	_ =	sdelay $0x2  }
0x1d4: {  	s10 =	smov.u32 s11;
	v20 =	vmov v12;
	s1 =	smov.u32 s11  }
.LBB2_15:
.Ltmp22:
0x1d5: {  	(pc) =	sbr.rel .LBB2_31-.Ltmp22, $2  }
0x1d6: {  	_ =	sdelay $0x2  }
0x1d7: {  	s9 =	smov.u32 s6  }
.LBB2_28:
.Ltmp23:
0x1d8: {  	(pc) =	sbr.rel .LBB2_31-.Ltmp23, $2  }
0x1d9: {  	_ =	sdelay $0x2  }
0x1da: {  	s9 =	smov.u32 s6;
	v19 =	vmov v11;
	s8 =	smov.u32 s6  }
.LBB2_26:
0x1db: {  	_ =	sfence.sel $0x180000  }
0x1dc: {  	[bflag:$0x0] =	sbarrier.arrive $0xFFFF  }
0x1dd: {  	_ =	strace $0x90000047  }
0x1de: {  	s0 =	stileid.u32;
	[bflag:$0x2] =	sbarrier.arrive $0xFFFF  }
0x1df: {  	p0 =	sne.s32 s0, $0x0;
	s0 =	rddreg [dreg:$0x4]  }
0x1e0: {  	s0 =	sadd.s32 @!p0 $0x100000, s0  }
0x1e1: {  	[sflag:s0] =	ssyncadd.tile.s32 @!p0 $0x1;
	_ =	shalt  }
.Lfunc_end2:
_tile_overlayer_lowered:
.L_overlay_start_2:
0x1e2: {  	(tag) =	ssettag $0x2  }
0x1e3: {  	s0 =	rddreg [dreg:$0x0];
	s2 =	stileid.u32  }
0x1e4: {  	s1 =	rddreg [dreg:$0x1];
	p0 =	sne.s32 s2, $0x0  }
0x1e5: {  	s3 =	rddreg [dreg:$0x2];
	[bflag:$0x3] =	sbarrier.arrive $0xFFFF;
	s2 =	simm.s32 @!p0 $0x1C02  }
0x1e6: {  	[timem:s3], [sflag:s2] =	dma.local @!p0 [hbm:s0], s1  }
0x1e7: {  	s0 =	simm.s32 @!p0 $0x2  }
0x1e8: {  	_ =	swait.ge @!p0 [sflag:s0], s1  }
0x1e9: {  	s1 =	ssub.s32 @!p0 $0x0, s1;
	[sflag:s0] =	ssyncset.done @!p0 $0x0  }
0x1ea: {  	[sflag:s0] =	ssyncadd.s32 @!p0 s1  }
0x1eb: {  	[bflag:$0x3] =	sbarrier.arrive $0xFFFF  }
0x1ec: {  	_ =	shalt  }

</sc_bundles>
